<compile_context>
chip_gen: v7x
topology: tpu7x:2x2x1
jax: 0.10.2.dev20260603
libtpu: 0.0.44.dev20260713+nightly
codegen_flags: <defaults>
</compile_context>

<pallas_src>
import functools

import jax
import jax.numpy as jnp
from jax import lax
from jax.experimental import pallas as pl
from jax.experimental.pallas import tpu as pltpu
from jax.experimental.pallas import tpu_sc as plsc

EMB_DIM = 256
N_CODES = 8192
N_PAD = 8448
BM = 2048
CHUNK = 2816
SUB = 704
N_SUB = CHUNK // SUB


def _argmin_body(e2t_ref, x2t_ref, et2_ref, xt_ref, idx_ref, acc_val, acc_idx):
    c = pl.program_id(1)
    x2t = x2t_ref[...]
    big = jnp.iinfo(jnp.int32).max

    dists = []
    chunk_min = None
    for t in range(N_SUB):
        e_sub = et2_ref[pl.ds(t * SUB, SUB), :]
        sim2 = lax.dot_general(e_sub, xt_ref[...],
                               (((1,), (1,)), ((), ())),
                               preferred_element_type=jnp.float32)
        d = (x2t + e2t_ref[pl.ds(t * SUB, SUB), :]) - sim2
        dists.append(d)
        m = jnp.min(d, axis=0, keepdims=True)
        chunk_min = m if chunk_min is None else jnp.minimum(chunk_min, m)

    chunk_idx = None
    for t in range(N_SUB):
        row = lax.broadcasted_iota(jnp.int32, (SUB, BM), 0) + (c * CHUNK + t * SUB)
        cand = jnp.min(jnp.where(dists[t] == chunk_min, row, big),
                       axis=0, keepdims=True)
        chunk_idx = cand if chunk_idx is None else jnp.minimum(chunk_idx, cand)

    @pl.when(c == 0)
    def _():
        acc_val[...] = chunk_min.astype(jnp.bfloat16).astype(jnp.float32)
        acc_idx[...] = chunk_idx

    @pl.when(c > 0)
    def _():
        better = chunk_min < acc_val[...]
        rounded = chunk_min.astype(jnp.bfloat16).astype(jnp.float32)
        acc_val[...] = jnp.where(better, rounded, acc_val[...])
        acc_idx[...] = jnp.where(better, chunk_idx, acc_idx[...])

    @pl.when(c == 2)
    def _():
        idx_ref[...] = acc_idx[...]


def _encode_indices(xt, et2, x2t, e2t):
    num_m = xt.shape[0] // BM
    return pl.pallas_call(
        _argmin_body,
        grid=(num_m, 3),
        in_specs=[
            pl.BlockSpec((CHUNK, 1), lambda i, c: (c, 0)),
            pl.BlockSpec((1, BM), lambda i, c: (0, i)),
            pl.BlockSpec((CHUNK, EMB_DIM), lambda i, c: (c, 0)),
            pl.BlockSpec((BM, EMB_DIM), lambda i, c: (i, 0)),
        ],
        out_specs=pl.BlockSpec((1, BM), lambda i, c: (0, i)),
        out_shape=jax.ShapeDtypeStruct((1, xt.shape[0]), jnp.int32),
        scratch_shapes=[
            pltpu.VMEM((1, BM), jnp.float32),
            pltpu.VMEM((1, BM), jnp.int32),
        ],
    )(e2t, x2t, et2, xt)


NUM_TOKENS = 16384
NW = 32
ROWS_PER_W = NUM_TOKENS // NW
GCHUNK = 128


def _sc_gather(table, idx):
    mesh = plsc.VectorSubcoreMesh(core_axis_name="c", subcore_axis_name="s")

    @functools.partial(
        pl.kernel,
        mesh=mesh,
        out_type=jax.ShapeDtypeStruct((NUM_TOKENS, EMB_DIM), jnp.float32),
        scratch_types=[
            pltpu.VMEM((GCHUNK,), jnp.int32),
            pltpu.VMEM((GCHUNK, EMB_DIM), jnp.float32),
            pltpu.SemaphoreType.DMA,
        ],
    )
    def _gather_kernel(table_hbm, idx_hbm, out_hbm, idx_v, rows_v, sem):
        wid = lax.axis_index("s") * 2 + lax.axis_index("c")
        base = wid * ROWS_PER_W
        for cidx in range(ROWS_PER_W // GCHUNK):
            off = base + cidx * GCHUNK
            pltpu.sync_copy(idx_hbm.at[pl.ds(off, GCHUNK)], idx_v)
            pltpu.async_copy(table_hbm.at[idx_v], rows_v, sem).wait()
            pltpu.sync_copy(rows_v, out_hbm.at[pl.ds(off, GCHUNK)])

    return _gather_kernel(table, idx)


def kernel(x, embeddings):
    input_shape = x.shape
    flat = x.reshape(-1, EMB_DIM)
    x2 = jnp.sum(flat ** 2, axis=1, keepdims=True)
    e2 = jnp.sum(embeddings ** 2, axis=0)
    e2t = jnp.concatenate(
        [e2, jnp.full((N_PAD - N_CODES,), jnp.inf, jnp.float32)]).reshape(N_PAD, 1)
    et2 = jnp.concatenate(
        [(2.0 * embeddings).T,
         jnp.zeros((N_PAD - N_CODES, EMB_DIM), jnp.float32)], axis=0)
    x2t = x2.reshape(1, -1)
    idx = _encode_indices(flat, et2, x2t, e2t)[0]
    quantized = _sc_gather(embeddings.T, idx).reshape(input_shape)
    return x + lax.stop_gradient(quantized - x)

# --- scband reference (transcript-rebuilt; emitter-appended) ---
"""Pipeline reference for scband-vector-quantizer-77721728188769 (READ-ONLY COPY).

The authoritative reference and input builder live on the scoring server;
editing this copy changes nothing except your own understanding.
"""

import jax, jax.numpy as jnp
import numpy as np

NUM_EMBEDDINGS = 8192
EMBEDDING_DIM = 256


def setup_inputs(seed: int = 0) -> dict:
    key = jax.random.key(seed)
    k1, k2 = jax.random.split(key)
    x = jax.random.normal(k1, (16, 1024, EMBEDDING_DIM), dtype=jnp.float32)
    # embeddings stored as (embedding_dim, num_embeddings), matching the keras layer
    embeddings = jax.random.uniform(k2, (EMBEDDING_DIM, NUM_EMBEDDINGS), dtype=jnp.float32, minval=-0.05, maxval=0.05)
    return {"x": x, "embeddings": embeddings}


def get_code_indices(flattened_inputs, embeddings):
    similarity = flattened_inputs @ embeddings
    distances = (jnp.sum(flattened_inputs ** 2, axis=1, keepdims=True)
                 + jnp.sum(embeddings ** 2, axis=0)
                 - 2.0 * similarity)
    encoding_indices = jnp.argmin(distances, axis=1)
    return encoding_indices


def reference(x, embeddings):
    input_shape = x.shape
    flattened = x.reshape(-1, EMBEDDING_DIM)
    encoding_indices = get_code_indices(flattened, embeddings)
    # one_hot @ embeddings^T is mathematically a row-gather of embeddings^T
    quantized = jnp.take(embeddings, encoding_indices, axis=1).T
    quantized = quantized.reshape(input_shape)
    # straight-through estimator
    quantized = x + jax.lax.stop_gradient(quantized - x)
    return quantized

if __name__ == "__main__":
    import jax
    _d = setup_inputs()
    print(jax.jit(kernel)(*tuple(_d.values())))

</pallas_src>

<mosaic_0001>
#map = affine_map<(d0, d1) -> (0, 0)>
#map1 = affine_map<(d0, d1) -> (0)>
module attributes {stable_mosaic.version = 14 : i64} {
  func.func @_gather_kernel(%arg0: i32, %arg1: i32, %arg2: memref<8192x256xf32, #tpu.memory_space<hbm>>, %arg3: memref<16384xi32, #tpu.memory_space<hbm>>, %arg4: memref<16384x256xf32, #tpu.memory_space<hbm>>, %arg5: memref<128xi32, #tpu.memory_space<vmem>>, %arg6: memref<128x256xf32, #tpu.memory_space<vmem>>, %arg7: memref<!tpu.dma_semaphore, #tpu.memory_space<semaphore_mem>>) attributes {dimension_semantics = [#tpu.dimension_semantics<core_parallel>, #tpu.dimension_semantics<subcore_parallel>], iteration_bounds = array<i64: 2, 16>, scalar_prefetch = 0 : i64, scratch_operands = 3 : i64, tpu.core_type = #tpu.core_type<sc_vector_subcore>, window_params = [{transform_indices = #map}, {transform_indices = #map1}, {transform_indices = #map}]} {
    %mul3A = arith.constant 2 : i32
    %mul3A_0 = arith.muli %arg1, %mul3A : i32
    %add3A = arith.addi %mul3A_0, %arg0 : i32
    %mul3A_1 = arith.constant 512 : i32
    %mul3A_2 = arith.muli %add3A, %mul3A_1 : i32
    %add3A_3 = arith.constant 0 : i32
    %add3A_4 = arith.addi %mul3A_2, %add3A_3 : i32
    "tpu.region"() ({
      %run_scoped3A = tpu.sem_alloc : memref<!tpu.dma_semaphore, #tpu.memory_space<semaphore_mem>>
      %dma_start3A_33 = tpu.memref_slice %arg3[%add3A_4] : memref<16384xi32, #tpu.memory_space<hbm>> -> memref<128xi32, #tpu.memory_space<hbm>>
      %dma_start3A_34 = tpu.memref_slice %arg3[%add3A_4] : memref<16384xi32, #tpu.memory_space<hbm>> -> memref<128xi32, #tpu.memory_space<hbm>>
      tpu.enqueue_dma source(%dma_start3A_34 : memref<128xi32, #tpu.memory_space<hbm>>) target(%arg5 : memref<128xi32, #tpu.memory_space<vmem>>) target_semaphore(%run_scoped3A : memref<!tpu.dma_semaphore, #tpu.memory_space<semaphore_mem>>)
      %dma_wait3A_35 = tpu.memref_slice %arg3[%add3A_4] : memref<16384xi32, #tpu.memory_space<hbm>> -> memref<128xi32, #tpu.memory_space<hbm>>
      %dma_wait3A_36 = tpu.memref_slice %arg3[%add3A_4] : memref<16384xi32, #tpu.memory_space<hbm>> -> memref<128xi32, #tpu.memory_space<hbm>>
      tpu.wait_dma2 semaphore(%run_scoped3A : memref<!tpu.dma_semaphore, #tpu.memory_space<semaphore_mem>>) src(%dma_wait3A_36 : memref<128xi32, #tpu.memory_space<hbm>>) dst(%arg5 : memref<128xi32, #tpu.memory_space<vmem>>)
      tpu.yield
    }) : () -> ()
    %dma_start3A = arith.constant 0 : i32
    %dma_start3A_5 = arith.constant 0 : i32
    %dma_start3A_6 = tpu.memref_slice %arg2[%dma_start3A, %dma_start3A_5] : memref<8192x256xf32, #tpu.memory_space<hbm>> -> memref<8192x256xf32, #tpu.memory_space<hbm>>
    tpu.enqueue_indirect_dma source(%dma_start3A_6 : memref<8192x256xf32, #tpu.memory_space<hbm>>) target(%arg6 : memref<128x256xf32, #tpu.memory_space<vmem>>) offsets(%arg5 : memref<128xi32, #tpu.memory_space<vmem>>) semaphore(%arg7 : memref<!tpu.dma_semaphore, #tpu.memory_space<semaphore_mem>>)
    %dma_wait3A = arith.constant 0 : i32
    %dma_wait3A_7 = arith.constant 0 : i32
    %dma_wait3A_8 = tpu.memref_slice %arg2[%dma_wait3A, %dma_wait3A_7] : memref<8192x256xf32, #tpu.memory_space<hbm>> -> memref<8192x256xf32, #tpu.memory_space<hbm>>
    tpu.wait_indirect_dma semaphore(%arg7 : memref<!tpu.dma_semaphore, #tpu.memory_space<semaphore_mem>>) src(%dma_wait3A_8 : memref<8192x256xf32, #tpu.memory_space<hbm>>) dst(%arg6 : memref<128x256xf32, #tpu.memory_space<vmem>>)
    "tpu.region"() ({
      %run_scoped3A = tpu.sem_alloc : memref<!tpu.dma_semaphore, #tpu.memory_space<semaphore_mem>>
      %dma_start3A_33 = arith.constant 0 : i32
      %dma_start3A_34 = tpu.memref_slice %arg4[%add3A_4, %dma_start3A_33] : memref<16384x256xf32, #tpu.memory_space<hbm>> -> memref<128x256xf32, #tpu.memory_space<hbm>>
      %dma_start3A_35 = arith.constant 0 : i32
      %dma_start3A_36 = tpu.memref_slice %arg4[%add3A_4, %dma_start3A_35] : memref<16384x256xf32, #tpu.memory_space<hbm>> -> memref<128x256xf32, #tpu.memory_space<hbm>>
      tpu.enqueue_dma source(%arg6 : memref<128x256xf32, #tpu.memory_space<vmem>>) target(%dma_start3A_36 : memref<128x256xf32, #tpu.memory_space<hbm>>) target_semaphore(%run_scoped3A : memref<!tpu.dma_semaphore, #tpu.memory_space<semaphore_mem>>)
      %dma_wait3A_37 = arith.constant 0 : i32
      %dma_wait3A_38 = tpu.memref_slice %arg4[%add3A_4, %dma_wait3A_37] : memref<16384x256xf32, #tpu.memory_space<hbm>> -> memref<128x256xf32, #tpu.memory_space<hbm>>
      %dma_wait3A_39 = arith.constant 0 : i32
      %dma_wait3A_40 = tpu.memref_slice %arg4[%add3A_4, %dma_wait3A_39] : memref<16384x256xf32, #tpu.memory_space<hbm>> -> memref<128x256xf32, #tpu.memory_space<hbm>>
      tpu.wait_dma2 semaphore(%run_scoped3A : memref<!tpu.dma_semaphore, #tpu.memory_space<semaphore_mem>>) src(%arg6 : memref<128x256xf32, #tpu.memory_space<vmem>>) dst(%dma_wait3A_40 : memref<128x256xf32, #tpu.memory_space<hbm>>)
      tpu.yield
    }) : () -> ()
    %add3A_9 = arith.constant 128 : i32
    %add3A_10 = arith.addi %mul3A_2, %add3A_9 : i32
    "tpu.region"() ({
      %run_scoped3A = tpu.sem_alloc : memref<!tpu.dma_semaphore, #tpu.memory_space<semaphore_mem>>
      %dma_start3A_33 = tpu.memref_slice %arg3[%add3A_10] : memref<16384xi32, #tpu.memory_space<hbm>> -> memref<128xi32, #tpu.memory_space<hbm>>
      %dma_start3A_34 = tpu.memref_slice %arg3[%add3A_10] : memref<16384xi32, #tpu.memory_space<hbm>> -> memref<128xi32, #tpu.memory_space<hbm>>
      tpu.enqueue_dma source(%dma_start3A_34 : memref<128xi32, #tpu.memory_space<hbm>>) target(%arg5 : memref<128xi32, #tpu.memory_space<vmem>>) target_semaphore(%run_scoped3A : memref<!tpu.dma_semaphore, #tpu.memory_space<semaphore_mem>>)
      %dma_wait3A_35 = tpu.memref_slice %arg3[%add3A_10] : memref<16384xi32, #tpu.memory_space<hbm>> -> memref<128xi32, #tpu.memory_space<hbm>>
      %dma_wait3A_36 = tpu.memref_slice %arg3[%add3A_10] : memref<16384xi32, #tpu.memory_space<hbm>> -> memref<128xi32, #tpu.memory_space<hbm>>
      tpu.wait_dma2 semaphore(%run_scoped3A : memref<!tpu.dma_semaphore, #tpu.memory_space<semaphore_mem>>) src(%dma_wait3A_36 : memref<128xi32, #tpu.memory_space<hbm>>) dst(%arg5 : memref<128xi32, #tpu.memory_space<vmem>>)
      tpu.yield
    }) : () -> ()
    %dma_start3A_11 = arith.constant 0 : i32
    %dma_start3A_12 = arith.constant 0 : i32
    %dma_start3A_13 = tpu.memref_slice %arg2[%dma_start3A_11, %dma_start3A_12] : memref<8192x256xf32, #tpu.memory_space<hbm>> -> memref<8192x256xf32, #tpu.memory_space<hbm>>
    tpu.enqueue_indirect_dma source(%dma_start3A_13 : memref<8192x256xf32, #tpu.memory_space<hbm>>) target(%arg6 : memref<128x256xf32, #tpu.memory_space<vmem>>) offsets(%arg5 : memref<128xi32, #tpu.memory_space<vmem>>) semaphore(%arg7 : memref<!tpu.dma_semaphore, #tpu.memory_space<semaphore_mem>>)
    %dma_wait3A_14 = arith.constant 0 : i32
    %dma_wait3A_15 = arith.constant 0 : i32
    %dma_wait3A_16 = tpu.memref_slice %arg2[%dma_wait3A_14, %dma_wait3A_15] : memref<8192x256xf32, #tpu.memory_space<hbm>> -> memref<8192x256xf32, #tpu.memory_space<hbm>>
    tpu.wait_indirect_dma semaphore(%arg7 : memref<!tpu.dma_semaphore, #tpu.memory_space<semaphore_mem>>) src(%dma_wait3A_16 : memref<8192x256xf32, #tpu.memory_space<hbm>>) dst(%arg6 : memref<128x256xf32, #tpu.memory_space<vmem>>)
    "tpu.region"() ({
      %run_scoped3A = tpu.sem_alloc : memref<!tpu.dma_semaphore, #tpu.memory_space<semaphore_mem>>
      %dma_start3A_33 = arith.constant 0 : i32
      %dma_start3A_34 = tpu.memref_slice %arg4[%add3A_10, %dma_start3A_33] : memref<16384x256xf32, #tpu.memory_space<hbm>> -> memref<128x256xf32, #tpu.memory_space<hbm>>
      %dma_start3A_35 = arith.constant 0 : i32
      %dma_start3A_36 = tpu.memref_slice %arg4[%add3A_10, %dma_start3A_35] : memref<16384x256xf32, #tpu.memory_space<hbm>> -> memref<128x256xf32, #tpu.memory_space<hbm>>
      tpu.enqueue_dma source(%arg6 : memref<128x256xf32, #tpu.memory_space<vmem>>) target(%dma_start3A_36 : memref<128x256xf32, #tpu.memory_space<hbm>>) target_semaphore(%run_scoped3A : memref<!tpu.dma_semaphore, #tpu.memory_space<semaphore_mem>>)
      %dma_wait3A_37 = arith.constant 0 : i32
      %dma_wait3A_38 = tpu.memref_slice %arg4[%add3A_10, %dma_wait3A_37] : memref<16384x256xf32, #tpu.memory_space<hbm>> -> memref<128x256xf32, #tpu.memory_space<hbm>>
      %dma_wait3A_39 = arith.constant 0 : i32
      %dma_wait3A_40 = tpu.memref_slice %arg4[%add3A_10, %dma_wait3A_39] : memref<16384x256xf32, #tpu.memory_space<hbm>> -> memref<128x256xf32, #tpu.memory_space<hbm>>
      tpu.wait_dma2 semaphore(%run_scoped3A : memref<!tpu.dma_semaphore, #tpu.memory_space<semaphore_mem>>) src(%arg6 : memref<128x256xf32, #tpu.memory_space<vmem>>) dst(%dma_wait3A_40 : memref<128x256xf32, #tpu.memory_space<hbm>>)
      tpu.yield
    }) : () -> ()
    %add3A_17 = arith.constant 256 : i32
    %add3A_18 = arith.addi %mul3A_2, %add3A_17 : i32
    "tpu.region"() ({
      %run_scoped3A = tpu.sem_alloc : memref<!tpu.dma_semaphore, #tpu.memory_space<semaphore_mem>>
      %dma_start3A_33 = tpu.memref_slice %arg3[%add3A_18] : memref<16384xi32, #tpu.memory_space<hbm>> -> memref<128xi32, #tpu.memory_space<hbm>>
      %dma_start3A_34 = tpu.memref_slice %arg3[%add3A_18] : memref<16384xi32, #tpu.memory_space<hbm>> -> memref<128xi32, #tpu.memory_space<hbm>>
      tpu.enqueue_dma source(%dma_start3A_34 : memref<128xi32, #tpu.memory_space<hbm>>) target(%arg5 : memref<128xi32, #tpu.memory_space<vmem>>) target_semaphore(%run_scoped3A : memref<!tpu.dma_semaphore, #tpu.memory_space<semaphore_mem>>)
      %dma_wait3A_35 = tpu.memref_slice %arg3[%add3A_18] : memref<16384xi32, #tpu.memory_space<hbm>> -> memref<128xi32, #tpu.memory_space<hbm>>
      %dma_wait3A_36 = tpu.memref_slice %arg3[%add3A_18] : memref<16384xi32, #tpu.memory_space<hbm>> -> memref<128xi32, #tpu.memory_space<hbm>>
      tpu.wait_dma2 semaphore(%run_scoped3A : memref<!tpu.dma_semaphore, #tpu.memory_space<semaphore_mem>>) src(%dma_wait3A_36 : memref<128xi32, #tpu.memory_space<hbm>>) dst(%arg5 : memref<128xi32, #tpu.memory_space<vmem>>)
      tpu.yield
    }) : () -> ()
    %dma_start3A_19 = arith.constant 0 : i32
    %dma_start3A_20 = arith.constant 0 : i32
    %dma_start3A_21 = tpu.memref_slice %arg2[%dma_start3A_19, %dma_start3A_20] : memref<8192x256xf32, #tpu.memory_space<hbm>> -> memref<8192x256xf32, #tpu.memory_space<hbm>>
    tpu.enqueue_indirect_dma source(%dma_start3A_21 : memref<8192x256xf32, #tpu.memory_space<hbm>>) target(%arg6 : memref<128x256xf32, #tpu.memory_space<vmem>>) offsets(%arg5 : memref<128xi32, #tpu.memory_space<vmem>>) semaphore(%arg7 : memref<!tpu.dma_semaphore, #tpu.memory_space<semaphore_mem>>)
    %dma_wait3A_22 = arith.constant 0 : i32
    %dma_wait3A_23 = arith.constant 0 : i32
    %dma_wait3A_24 = tpu.memref_slice %arg2[%dma_wait3A_22, %dma_wait3A_23] : memref<8192x256xf32, #tpu.memory_space<hbm>> -> memref<8192x256xf32, #tpu.memory_space<hbm>>
    tpu.wait_indirect_dma semaphore(%arg7 : memref<!tpu.dma_semaphore, #tpu.memory_space<semaphore_mem>>) src(%dma_wait3A_24 : memref<8192x256xf32, #tpu.memory_space<hbm>>) dst(%arg6 : memref<128x256xf32, #tpu.memory_space<vmem>>)
    "tpu.region"() ({
      %run_scoped3A = tpu.sem_alloc : memref<!tpu.dma_semaphore, #tpu.memory_space<semaphore_mem>>
      %dma_start3A_33 = arith.constant 0 : i32
      %dma_start3A_34 = tpu.memref_slice %arg4[%add3A_18, %dma_start3A_33] : memref<16384x256xf32, #tpu.memory_space<hbm>> -> memref<128x256xf32, #tpu.memory_space<hbm>>
      %dma_start3A_35 = arith.constant 0 : i32
      %dma_start3A_36 = tpu.memref_slice %arg4[%add3A_18, %dma_start3A_35] : memref<16384x256xf32, #tpu.memory_space<hbm>> -> memref<128x256xf32, #tpu.memory_space<hbm>>
      tpu.enqueue_dma source(%arg6 : memref<128x256xf32, #tpu.memory_space<vmem>>) target(%dma_start3A_36 : memref<128x256xf32, #tpu.memory_space<hbm>>) target_semaphore(%run_scoped3A : memref<!tpu.dma_semaphore, #tpu.memory_space<semaphore_mem>>)
      %dma_wait3A_37 = arith.constant 0 : i32
      %dma_wait3A_38 = tpu.memref_slice %arg4[%add3A_18, %dma_wait3A_37] : memref<16384x256xf32, #tpu.memory_space<hbm>> -> memref<128x256xf32, #tpu.memory_space<hbm>>
      %dma_wait3A_39 = arith.constant 0 : i32
      %dma_wait3A_40 = tpu.memref_slice %arg4[%add3A_18, %dma_wait3A_39] : memref<16384x256xf32, #tpu.memory_space<hbm>> -> memref<128x256xf32, #tpu.memory_space<hbm>>
      tpu.wait_dma2 semaphore(%run_scoped3A : memref<!tpu.dma_semaphore, #tpu.memory_space<semaphore_mem>>) src(%arg6 : memref<128x256xf32, #tpu.memory_space<vmem>>) dst(%dma_wait3A_40 : memref<128x256xf32, #tpu.memory_space<hbm>>)
      tpu.yield
    }) : () -> ()
    %add3A_25 = arith.constant 384 : i32
    %add3A_26 = arith.addi %mul3A_2, %add3A_25 : i32
    "tpu.region"() ({
      %run_scoped3A = tpu.sem_alloc : memref<!tpu.dma_semaphore, #tpu.memory_space<semaphore_mem>>
      %dma_start3A_33 = tpu.memref_slice %arg3[%add3A_26] : memref<16384xi32, #tpu.memory_space<hbm>> -> memref<128xi32, #tpu.memory_space<hbm>>
      %dma_start3A_34 = tpu.memref_slice %arg3[%add3A_26] : memref<16384xi32, #tpu.memory_space<hbm>> -> memref<128xi32, #tpu.memory_space<hbm>>
      tpu.enqueue_dma source(%dma_start3A_34 : memref<128xi32, #tpu.memory_space<hbm>>) target(%arg5 : memref<128xi32, #tpu.memory_space<vmem>>) target_semaphore(%run_scoped3A : memref<!tpu.dma_semaphore, #tpu.memory_space<semaphore_mem>>)
      %dma_wait3A_35 = tpu.memref_slice %arg3[%add3A_26] : memref<16384xi32, #tpu.memory_space<hbm>> -> memref<128xi32, #tpu.memory_space<hbm>>
      %dma_wait3A_36 = tpu.memref_slice %arg3[%add3A_26] : memref<16384xi32, #tpu.memory_space<hbm>> -> memref<128xi32, #tpu.memory_space<hbm>>
      tpu.wait_dma2 semaphore(%run_scoped3A : memref<!tpu.dma_semaphore, #tpu.memory_space<semaphore_mem>>) src(%dma_wait3A_36 : memref<128xi32, #tpu.memory_space<hbm>>) dst(%arg5 : memref<128xi32, #tpu.memory_space<vmem>>)
      tpu.yield
    }) : () -> ()
    %dma_start3A_27 = arith.constant 0 : i32
    %dma_start3A_28 = arith.constant 0 : i32
    %dma_start3A_29 = tpu.memref_slice %arg2[%dma_start3A_27, %dma_start3A_28] : memref<8192x256xf32, #tpu.memory_space<hbm>> -> memref<8192x256xf32, #tpu.memory_space<hbm>>
    tpu.enqueue_indirect_dma source(%dma_start3A_29 : memref<8192x256xf32, #tpu.memory_space<hbm>>) target(%arg6 : memref<128x256xf32, #tpu.memory_space<vmem>>) offsets(%arg5 : memref<128xi32, #tpu.memory_space<vmem>>) semaphore(%arg7 : memref<!tpu.dma_semaphore, #tpu.memory_space<semaphore_mem>>)
    %dma_wait3A_30 = arith.constant 0 : i32
    %dma_wait3A_31 = arith.constant 0 : i32
    %dma_wait3A_32 = tpu.memref_slice %arg2[%dma_wait3A_30, %dma_wait3A_31] : memref<8192x256xf32, #tpu.memory_space<hbm>> -> memref<8192x256xf32, #tpu.memory_space<hbm>>
    tpu.wait_indirect_dma semaphore(%arg7 : memref<!tpu.dma_semaphore, #tpu.memory_space<semaphore_mem>>) src(%dma_wait3A_32 : memref<8192x256xf32, #tpu.memory_space<hbm>>) dst(%arg6 : memref<128x256xf32, #tpu.memory_space<vmem>>)
    "tpu.region"() ({
      %run_scoped3A = tpu.sem_alloc : memref<!tpu.dma_semaphore, #tpu.memory_space<semaphore_mem>>
      %dma_start3A_33 = arith.constant 0 : i32
      %dma_start3A_34 = tpu.memref_slice %arg4[%add3A_26, %dma_start3A_33] : memref<16384x256xf32, #tpu.memory_space<hbm>> -> memref<128x256xf32, #tpu.memory_space<hbm>>
      %dma_start3A_35 = arith.constant 0 : i32
      %dma_start3A_36 = tpu.memref_slice %arg4[%add3A_26, %dma_start3A_35] : memref<16384x256xf32, #tpu.memory_space<hbm>> -> memref<128x256xf32, #tpu.memory_space<hbm>>
      tpu.enqueue_dma source(%arg6 : memref<128x256xf32, #tpu.memory_space<vmem>>) target(%dma_start3A_36 : memref<128x256xf32, #tpu.memory_space<hbm>>) target_semaphore(%run_scoped3A : memref<!tpu.dma_semaphore, #tpu.memory_space<semaphore_mem>>)
      %dma_wait3A_37 = arith.constant 0 : i32
      %dma_wait3A_38 = tpu.memref_slice %arg4[%add3A_26, %dma_wait3A_37] : memref<16384x256xf32, #tpu.memory_space<hbm>> -> memref<128x256xf32, #tpu.memory_space<hbm>>
      %dma_wait3A_39 = arith.constant 0 : i32
      %dma_wait3A_40 = tpu.memref_slice %arg4[%add3A_26, %dma_wait3A_39] : memref<16384x256xf32, #tpu.memory_space<hbm>> -> memref<128x256xf32, #tpu.memory_space<hbm>>
      tpu.wait_dma2 semaphore(%run_scoped3A : memref<!tpu.dma_semaphore, #tpu.memory_space<semaphore_mem>>) src(%arg6 : memref<128x256xf32, #tpu.memory_space<vmem>>) dst(%dma_wait3A_40 : memref<128x256xf32, #tpu.memory_space<hbm>>)
      tpu.yield
    }) : () -> ()
    return
  }
}

module attributes {stable_mosaic.version = 14 : i64} {
  func.func @_argmin_body(%arg0: i32, %arg1: i32, %arg2: memref<2816x1xf32, #tpu.memory_space<vmem>>, %arg3: memref<1x2048xf32, #tpu.memory_space<vmem>>, %arg4: memref<2816x256xf32, #tpu.memory_space<vmem>>, %arg5: memref<2048x256xf32, #tpu.memory_space<vmem>>, %arg6: memref<1x2048xi32, #tpu.memory_space<vmem>>, %arg7: memref<1x2048xf32, #tpu.memory_space<vmem>>, %arg8: memref<1x2048xi32, #tpu.memory_space<vmem>>) attributes {dimension_semantics = [#tpu.dimension_semantics<arbitrary>, #tpu.dimension_semantics<arbitrary>], iteration_bounds = array<i64: 8, 3>, scalar_prefetch = 0 : i64, scratch_operands = 2 : i64, tpu.core_type = #tpu.core_type<tc>, window_params = [{transform_indices = @transform_0, window_bounds = array<i64: 2816, 1>}, {transform_indices = @transform_1, window_bounds = array<i64: 1, 2048>}, {transform_indices = @transform_2, window_bounds = array<i64: 2816, 256>}, {transform_indices = @transform_3, window_bounds = array<i64: 2048, 256>}, {transform_indices = @transform_4, window_bounds = array<i64: 1, 2048>}]} {
    %get3A = arith.constant 0 : index
    %get3A_0 = arith.constant 0 : index
    %get3A_1 = vector.load %arg3[%get3A, %get3A_0] : memref<1x2048xf32, #tpu.memory_space<vmem>>, vector<1x2048xf32>
    %get3A_2 = arith.constant 0 : index
    %get3A_3 = arith.constant 0 : index
    %get3A_4 = vector.load %arg4[%get3A_2, %get3A_3] : memref<2816x256xf32, #tpu.memory_space<vmem>>, vector<704x256xf32>
    %get3A_5 = arith.constant 0 : index
    %get3A_6 = arith.constant 0 : index
    %get3A_7 = vector.load %arg5[%get3A_5, %get3A_6] : memref<2048x256xf32, #tpu.memory_space<vmem>>, vector<2048x256xf32>
    %dot_general3A = arith.constant dense<0.000000e+00> : vector<704x2048xf32>
    %dot_general3A_8 = tpu.matmul %get3A_4, %get3A_7, %dot_general3A {dimension_numbers = #tpu.dot_dimension_numbers<[1], [1], [0], [0], [0, 0, 1, 0], [], []>, transpose_lhs_hint = false} : vector<704x256xf32>, vector<2048x256xf32>, vector<704x2048xf32> -> vector<704x2048xf32>
    %get3A_9 = arith.constant 0 : index
    %get3A_10 = arith.constant 0 : index
    %get3A_11 = vector.load %arg2[%get3A_9, %get3A_10] : memref<2816x1xf32, #tpu.memory_space<vmem>>, vector<704x1xf32>
    %add3A = vector.broadcast %get3A_1 : vector<1x2048xf32> to vector<704x2048xf32>
    %add3A_12 = vector.broadcast %get3A_11 : vector<704x1xf32> to vector<704x2048xf32>
    %add3A_13 = arith.addf %add3A, %add3A_12 : vector<704x2048xf32>
    %sub3A = arith.subf %add3A_13, %dot_general3A_8 : vector<704x2048xf32>
    %reduce_min3A = arith.constant dense<0x7F800000> : vector<2048xf32>
    %reduce_min3A_14 = vector.multi_reduction <minimumf>, %sub3A, %reduce_min3A [0] : vector<704x2048xf32> to vector<2048xf32>
    %broadcast_in_dim3A = vector.shape_cast %reduce_min3A_14 : vector<2048xf32> to vector<1x2048xf32>
    %get3A_15 = arith.constant 704 : index
    %get3A_16 = arith.constant 0 : index
    %get3A_17 = vector.load %arg4[%get3A_15, %get3A_16] : memref<2816x256xf32, #tpu.memory_space<vmem>>, vector<704x256xf32>
    %get3A_18 = arith.constant 0 : index
    %get3A_19 = arith.constant 0 : index
    %get3A_20 = vector.load %arg5[%get3A_18, %get3A_19] : memref<2048x256xf32, #tpu.memory_space<vmem>>, vector<2048x256xf32>
    %dot_general3A_21 = arith.constant dense<0.000000e+00> : vector<704x2048xf32>
    %dot_general3A_22 = tpu.matmul %get3A_17, %get3A_20, %dot_general3A_21 {dimension_numbers = #tpu.dot_dimension_numbers<[1], [1], [0], [0], [0, 0, 1, 0], [], []>, transpose_lhs_hint = false} : vector<704x256xf32>, vector<2048x256xf32>, vector<704x2048xf32> -> vector<704x2048xf32>
    %get3A_23 = arith.constant 704 : index
    %get3A_24 = arith.constant 0 : index
    %get3A_25 = vector.load %arg2[%get3A_23, %get3A_24] : memref<2816x1xf32, #tpu.memory_space<vmem>>, vector<704x1xf32>
    %add3A_26 = vector.broadcast %get3A_1 : vector<1x2048xf32> to vector<704x2048xf32>
    %add3A_27 = vector.broadcast %get3A_25 : vector<704x1xf32> to vector<704x2048xf32>
    %add3A_28 = arith.addf %add3A_26, %add3A_27 : vector<704x2048xf32>
    %sub3A_29 = arith.subf %add3A_28, %dot_general3A_22 : vector<704x2048xf32>
    %reduce_min3A_30 = arith.constant dense<0x7F800000> : vector<2048xf32>
    %reduce_min3A_31 = vector.multi_reduction <minimumf>, %sub3A_29, %reduce_min3A_30 [0] : vector<704x2048xf32> to vector<2048xf32>
    %broadcast_in_dim3A_32 = vector.shape_cast %reduce_min3A_31 : vector<2048xf32> to vector<1x2048xf32>
    %min3A = arith.minimumf %broadcast_in_dim3A, %broadcast_in_dim3A_32 : vector<1x2048xf32>
    %get3A_33 = arith.constant 1408 : index
    %get3A_34 = arith.constant 0 : index
    %get3A_35 = vector.load %arg4[%get3A_33, %get3A_34] : memref<2816x256xf32, #tpu.memory_space<vmem>>, vector<704x256xf32>
    %get3A_36 = arith.constant 0 : index
    %get3A_37 = arith.constant 0 : index
    %get3A_38 = vector.load %arg5[%get3A_36, %get3A_37] : memref<2048x256xf32, #tpu.memory_space<vmem>>, vector<2048x256xf32>
    %dot_general3A_39 = arith.constant dense<0.000000e+00> : vector<704x2048xf32>
    %dot_general3A_40 = tpu.matmul %get3A_35, %get3A_38, %dot_general3A_39 {dimension_numbers = #tpu.dot_dimension_numbers<[1], [1], [0], [0], [0, 0, 1, 0], [], []>, transpose_lhs_hint = false} : vector<704x256xf32>, vector<2048x256xf32>, vector<704x2048xf32> -> vector<704x2048xf32>
    %get3A_41 = arith.constant 1408 : index
    %get3A_42 = arith.constant 0 : index
    %get3A_43 = vector.load %arg2[%get3A_41, %get3A_42] : memref<2816x1xf32, #tpu.memory_space<vmem>>, vector<704x1xf32>
    %add3A_44 = vector.broadcast %get3A_1 : vector<1x2048xf32> to vector<704x2048xf32>
    %add3A_45 = vector.broadcast %get3A_43 : vector<704x1xf32> to vector<704x2048xf32>
    %add3A_46 = arith.addf %add3A_44, %add3A_45 : vector<704x2048xf32>
    %sub3A_47 = arith.subf %add3A_46, %dot_general3A_40 : vector<704x2048xf32>
    %reduce_min3A_48 = arith.constant dense<0x7F800000> : vector<2048xf32>
    %reduce_min3A_49 = vector.multi_reduction <minimumf>, %sub3A_47, %reduce_min3A_48 [0] : vector<704x2048xf32> to vector<2048xf32>
    %broadcast_in_dim3A_50 = vector.shape_cast %reduce_min3A_49 : vector<2048xf32> to vector<1x2048xf32>
    %min3A_51 = arith.minimumf %min3A, %broadcast_in_dim3A_50 : vector<1x2048xf32>
    %get3A_52 = arith.constant 2112 : index
    %get3A_53 = arith.constant 0 : index
    %get3A_54 = vector.load %arg4[%get3A_52, %get3A_53] : memref<2816x256xf32, #tpu.memory_space<vmem>>, vector<704x256xf32>
    %get3A_55 = arith.constant 0 : index
    %get3A_56 = arith.constant 0 : index
    %get3A_57 = vector.load %arg5[%get3A_55, %get3A_56] : memref<2048x256xf32, #tpu.memory_space<vmem>>, vector<2048x256xf32>
    %dot_general3A_58 = arith.constant dense<0.000000e+00> : vector<704x2048xf32>
    %dot_general3A_59 = tpu.matmul %get3A_54, %get3A_57, %dot_general3A_58 {dimension_numbers = #tpu.dot_dimension_numbers<[1], [1], [0], [0], [0, 0, 1, 0], [], []>, transpose_lhs_hint = false} : vector<704x256xf32>, vector<2048x256xf32>, vector<704x2048xf32> -> vector<704x2048xf32>
    %get3A_60 = arith.constant 2112 : index
    %get3A_61 = arith.constant 0 : index
    %get3A_62 = vector.load %arg2[%get3A_60, %get3A_61] : memref<2816x1xf32, #tpu.memory_space<vmem>>, vector<704x1xf32>
    %add3A_63 = vector.broadcast %get3A_1 : vector<1x2048xf32> to vector<704x2048xf32>
    %add3A_64 = vector.broadcast %get3A_62 : vector<704x1xf32> to vector<704x2048xf32>
    %add3A_65 = arith.addf %add3A_63, %add3A_64 : vector<704x2048xf32>
    %sub3A_66 = arith.subf %add3A_65, %dot_general3A_59 : vector<704x2048xf32>
    %reduce_min3A_67 = arith.constant dense<0x7F800000> : vector<2048xf32>
    %reduce_min3A_68 = vector.multi_reduction <minimumf>, %sub3A_66, %reduce_min3A_67 [0] : vector<704x2048xf32> to vector<2048xf32>
    %broadcast_in_dim3A_69 = vector.shape_cast %reduce_min3A_68 : vector<2048xf32> to vector<1x2048xf32>
    %min3A_70 = arith.minimumf %min3A_51, %broadcast_in_dim3A_69 : vector<1x2048xf32>
    %iota3A = tpu.iota {dimensions = array<i32: 0>} : vector<704x2048xi32>
    %mul3A = arith.constant 2816 : i32
    %mul3A_71 = arith.muli %arg1, %mul3A : i32
    %add3A_72 = arith.constant 0 : i32
    %add3A_73 = arith.addi %mul3A_71, %add3A_72 : i32
    %add3A_74 = vector.broadcast %add3A_73 : i32 to vector<704x2048xi32>
    %add3A_75 = arith.addi %iota3A, %add3A_74 : vector<704x2048xi32>
    %eq3A = vector.broadcast %min3A_70 : vector<1x2048xf32> to vector<704x2048xf32>
    %eq3A_76 = arith.cmpf oeq, %sub3A, %eq3A : vector<704x2048xf32>
    %jit3A = arith.constant 2147483647 : i32
    %broadcast_in_dim3A_77 = vector.broadcast %jit3A : i32 to vector<704x2048xi32>
    %select_n3A = arith.select %eq3A_76, %add3A_75, %broadcast_in_dim3A_77 : vector<704x2048xi1>, vector<704x2048xi32>
    %reduce_min3A_78 = arith.constant dense<2147483647> : vector<2048xi32>
    %reduce_min3A_79 = vector.multi_reduction <minsi>, %select_n3A, %reduce_min3A_78 [0] : vector<704x2048xi32> to vector<2048xi32>
    %broadcast_in_dim3A_80 = vector.shape_cast %reduce_min3A_79 : vector<2048xi32> to vector<1x2048xi32>
    %iota3A_81 = tpu.iota {dimensions = array<i32: 0>} : vector<704x2048xi32>
    %mul3A_82 = arith.constant 2816 : i32
    %mul3A_83 = arith.muli %arg1, %mul3A_82 : i32
    %add3A_84 = arith.constant 704 : i32
    %add3A_85 = arith.addi %mul3A_83, %add3A_84 : i32
    %add3A_86 = vector.broadcast %add3A_85 : i32 to vector<704x2048xi32>
    %add3A_87 = arith.addi %iota3A_81, %add3A_86 : vector<704x2048xi32>
    %eq3A_88 = vector.broadcast %min3A_70 : vector<1x2048xf32> to vector<704x2048xf32>
    %eq3A_89 = arith.cmpf oeq, %sub3A_29, %eq3A_88 : vector<704x2048xf32>
    %jit3A_90 = arith.constant 2147483647 : i32
    %broadcast_in_dim3A_91 = vector.broadcast %jit3A_90 : i32 to vector<704x2048xi32>
    %select_n3A_92 = arith.select %eq3A_89, %add3A_87, %broadcast_in_dim3A_91 : vector<704x2048xi1>, vector<704x2048xi32>
    %reduce_min3A_93 = arith.constant dense<2147483647> : vector<2048xi32>
    %reduce_min3A_94 = vector.multi_reduction <minsi>, %select_n3A_92, %reduce_min3A_93 [0] : vector<704x2048xi32> to vector<2048xi32>
    %broadcast_in_dim3A_95 = vector.shape_cast %reduce_min3A_94 : vector<2048xi32> to vector<1x2048xi32>
    %min3A_96 = arith.minsi %broadcast_in_dim3A_80, %broadcast_in_dim3A_95 : vector<1x2048xi32>
    %iota3A_97 = tpu.iota {dimensions = array<i32: 0>} : vector<704x2048xi32>
    %mul3A_98 = arith.constant 2816 : i32
    %mul3A_99 = arith.muli %arg1, %mul3A_98 : i32
    %add3A_100 = arith.constant 1408 : i32
    %add3A_101 = arith.addi %mul3A_99, %add3A_100 : i32
    %add3A_102 = vector.broadcast %add3A_101 : i32 to vector<704x2048xi32>
    %add3A_103 = arith.addi %iota3A_97, %add3A_102 : vector<704x2048xi32>
    %eq3A_104 = vector.broadcast %min3A_70 : vector<1x2048xf32> to vector<704x2048xf32>
    %eq3A_105 = arith.cmpf oeq, %sub3A_47, %eq3A_104 : vector<704x2048xf32>
    %jit3A_106 = arith.constant 2147483647 : i32
    %broadcast_in_dim3A_107 = vector.broadcast %jit3A_106 : i32 to vector<704x2048xi32>
    %select_n3A_108 = arith.select %eq3A_105, %add3A_103, %broadcast_in_dim3A_107 : vector<704x2048xi1>, vector<704x2048xi32>
    %reduce_min3A_109 = arith.constant dense<2147483647> : vector<2048xi32>
    %reduce_min3A_110 = vector.multi_reduction <minsi>, %select_n3A_108, %reduce_min3A_109 [0] : vector<704x2048xi32> to vector<2048xi32>
    %broadcast_in_dim3A_111 = vector.shape_cast %reduce_min3A_110 : vector<2048xi32> to vector<1x2048xi32>
    %min3A_112 = arith.minsi %min3A_96, %broadcast_in_dim3A_111 : vector<1x2048xi32>
    %iota3A_113 = tpu.iota {dimensions = array<i32: 0>} : vector<704x2048xi32>
    %mul3A_114 = arith.constant 2816 : i32
    %mul3A_115 = arith.muli %arg1, %mul3A_114 : i32
    %add3A_116 = arith.constant 2112 : i32
    %add3A_117 = arith.addi %mul3A_115, %add3A_116 : i32
    %add3A_118 = vector.broadcast %add3A_117 : i32 to vector<704x2048xi32>
    %add3A_119 = arith.addi %iota3A_113, %add3A_118 : vector<704x2048xi32>
    %eq3A_120 = vector.broadcast %min3A_70 : vector<1x2048xf32> to vector<704x2048xf32>
    %eq3A_121 = arith.cmpf oeq, %sub3A_66, %eq3A_120 : vector<704x2048xf32>
    %jit3A_122 = arith.constant 2147483647 : i32
    %broadcast_in_dim3A_123 = vector.broadcast %jit3A_122 : i32 to vector<704x2048xi32>
    %select_n3A_124 = arith.select %eq3A_121, %add3A_119, %broadcast_in_dim3A_123 : vector<704x2048xi1>, vector<704x2048xi32>
    %reduce_min3A_125 = arith.constant dense<2147483647> : vector<2048xi32>
    %reduce_min3A_126 = vector.multi_reduction <minsi>, %select_n3A_124, %reduce_min3A_125 [0] : vector<704x2048xi32> to vector<2048xi32>
    %broadcast_in_dim3A_127 = vector.shape_cast %reduce_min3A_126 : vector<2048xi32> to vector<1x2048xi32>
    %min3A_128 = arith.minsi %min3A_112, %broadcast_in_dim3A_127 : vector<1x2048xi32>
    %eq3A_129 = arith.constant 0 : i32
    %eq3A_130 = arith.cmpi eq, %arg1, %eq3A_129 : i32
    %convert_element_type3A = arith.extui %eq3A_130 : i1 to i32
    %cond3A = arith.constant 0 : i32
    %cond3A_131 = arith.cmpi ne, %convert_element_type3A, %cond3A : i32
    scf.if %cond3A_131 {
      %convert_element_type3A_141 = arith.truncf %min3A_70 : vector<1x2048xf32> to vector<1x2048xbf16>
      %convert_element_type3A_142 = arith.extf %convert_element_type3A_141 : vector<1x2048xbf16> to vector<1x2048xf32>
      %swap3A = arith.constant 0 : index
      %swap3A_143 = arith.constant 0 : index
      %swap3A_144 = vector.load %arg7[%swap3A, %swap3A_143] : memref<1x2048xf32, #tpu.memory_space<vmem>>, vector<1x2048xf32>
      tpu.vector_store %arg7[%swap3A, %swap3A_143], %convert_element_type3A_142 {strides = array<i32>} : memref<1x2048xf32, #tpu.memory_space<vmem>>, vector<1x2048xf32>,
      %swap3A_145 = arith.constant 0 : index
      %swap3A_146 = arith.constant 0 : index
      %swap3A_147 = vector.load %arg8[%swap3A_145, %swap3A_146] : memref<1x2048xi32, #tpu.memory_space<vmem>>, vector<1x2048xi32>
      tpu.vector_store %arg8[%swap3A_145, %swap3A_146], %min3A_128 {strides = array<i32>} : memref<1x2048xi32, #tpu.memory_space<vmem>>, vector<1x2048xi32>,
    } else {
    }
    %gt3A = arith.constant 0 : i32
    %gt3A_132 = arith.cmpi sgt, %arg1, %gt3A : i32
    %convert_element_type3A_133 = arith.extui %gt3A_132 : i1 to i32
    %cond3A_134 = arith.constant 0 : i32
    %cond3A_135 = arith.cmpi ne, %convert_element_type3A_133, %cond3A_134 : i32
    scf.if %cond3A_135 {
      %get3A_141 = arith.constant 0 : index
      %get3A_142 = arith.constant 0 : index
      %get3A_143 = vector.load %arg7[%get3A_141, %get3A_142] : memref<1x2048xf32, #tpu.memory_space<vmem>>, vector<1x2048xf32>
      %lt3A = arith.cmpf olt, %min3A_70, %get3A_143 : vector<1x2048xf32>
      %convert_element_type3A_144 = arith.truncf %min3A_70 : vector<1x2048xf32> to vector<1x2048xbf16>
      %convert_element_type3A_145 = arith.extf %convert_element_type3A_144 : vector<1x2048xbf16> to vector<1x2048xf32>
      %get3A_146 = arith.constant 0 : index
      %get3A_147 = arith.constant 0 : index
      %get3A_148 = vector.load %arg7[%get3A_146, %get3A_147] : memref<1x2048xf32, #tpu.memory_space<vmem>>, vector<1x2048xf32>
      %select_n3A_149 = arith.select %lt3A, %convert_element_type3A_145, %get3A_148 : vector<1x2048xi1>, vector<1x2048xf32>
      %swap3A = arith.constant 0 : index
      %swap3A_150 = arith.constant 0 : index
      %swap3A_151 = vector.load %arg7[%swap3A, %swap3A_150] : memref<1x2048xf32, #tpu.memory_space<vmem>>, vector<1x2048xf32>
      tpu.vector_store %arg7[%swap3A, %swap3A_150], %select_n3A_149 {strides = array<i32>} : memref<1x2048xf32, #tpu.memory_space<vmem>>, vector<1x2048xf32>,
      %get3A_152 = arith.constant 0 : index
      %get3A_153 = arith.constant 0 : index
      %get3A_154 = vector.load %arg8[%get3A_152, %get3A_153] : memref<1x2048xi32, #tpu.memory_space<vmem>>, vector<1x2048xi32>
      %select_n3A_155 = arith.select %lt3A, %min3A_128, %get3A_154 : vector<1x2048xi1>, vector<1x2048xi32>
      %swap3A_156 = arith.constant 0 : index
      %swap3A_157 = arith.constant 0 : index
      %swap3A_158 = vector.load %arg8[%swap3A_156, %swap3A_157] : memref<1x2048xi32, #tpu.memory_space<vmem>>, vector<1x2048xi32>
      tpu.vector_store %arg8[%swap3A_156, %swap3A_157], %select_n3A_155 {strides = array<i32>} : memref<1x2048xi32, #tpu.memory_space<vmem>>, vector<1x2048xi32>,
    } else {
    }
    %eq3A_136 = arith.constant 2 : i32
    %eq3A_137 = arith.cmpi eq, %arg1, %eq3A_136 : i32
    %convert_element_type3A_138 = arith.extui %eq3A_137 : i1 to i32
    %cond3A_139 = arith.constant 0 : i32
    %cond3A_140 = arith.cmpi ne, %convert_element_type3A_138, %cond3A_139 : i32
    scf.if %cond3A_140 {
      %get3A_141 = arith.constant 0 : index
      %get3A_142 = arith.constant 0 : index
      %get3A_143 = vector.load %arg8[%get3A_141, %get3A_142] : memref<1x2048xi32, #tpu.memory_space<vmem>>, vector<1x2048xi32>
      %swap3A = arith.constant 0 : index
      %swap3A_144 = arith.constant 0 : index
      %swap3A_145 = vector.load %arg6[%swap3A, %swap3A_144] : memref<1x2048xi32, #tpu.memory_space<vmem>>, vector<1x2048xi32>
      tpu.vector_store %arg6[%swap3A, %swap3A_144], %get3A_143 {strides = array<i32>} : memref<1x2048xi32, #tpu.memory_space<vmem>>, vector<1x2048xi32>,
    } else {
    }
    return
  }
  func.func @transform_0(%arg0: i32, %arg1: i32) -> (i32, i32) {
    %c0_i32 = arith.constant 0 : i32
    %c0_i32_0 = arith.constant 0 : i32
    return %arg1, %c0_i32 : i32, i32
  }
  func.func @transform_1(%arg0: i32, %arg1: i32) -> (i32, i32) {
    %c0_i32 = arith.constant 0 : i32
    %c0_i32_0 = arith.constant 0 : i32
    return %c0_i32, %arg0 : i32, i32
  }
  func.func @transform_2(%arg0: i32, %arg1: i32) -> (i32, i32) {
    %c0_i32 = arith.constant 0 : i32
    %c0_i32_0 = arith.constant 0 : i32
    return %arg1, %c0_i32 : i32, i32
  }
  func.func @transform_3(%arg0: i32, %arg1: i32) -> (i32, i32) {
    %c0_i32 = arith.constant 0 : i32
    %c0_i32_0 = arith.constant 0 : i32
    return %arg0, %c0_i32 : i32, i32
  }
  func.func @transform_4(%arg0: i32, %arg1: i32) -> (i32, i32) {
    %c0_i32 = arith.constant 0 : i32
    %c0_i32_0 = arith.constant 0 : i32
    return %c0_i32, %arg0 : i32, i32
  }
}

</mosaic_0001>

<sc_bundles>
// kernel: kernel.4.cloned.1.call-start
scs
__scs_entry_jumppad:
0x0: {  	(pc) =	sbr.rel $0x88, $3  }
0x1: {  	(tag) =	ssettag $0x0;
	lr =	simm.s32 $0x1  }
0x2: {  	[smem:$0x3F9F] =	sst lr;
	_ =	strace $0xD0000000  }
0x3: {  	_ = 	snop  }
0x4: {  	_ = 	snop  }
0x5: {  	_ = 	snop  }
0x6: {  	_ = 	snop  }
0x7: {  	_ = 	snop  }
__scs_overlays_trampoline_lowered:
0x8: {  	[smem:$0x3FAE] =	sst s0  }
0x9: {  	[smem:$0x3FAF] =	sst s1  }
0xa: {  	[smem:$0x3FB0] =	sst s2  }
0xb: {  	[smem:$0x3FB1] =	sst s3  }
0xc: {  	[smem:$0x3FB2] =	sst s4  }
0xd: {  	[smem:$0x3FB3] =	sst s5  }
0xe: {  	[smem:$0x3FB4] =	sst s6  }
0xf: {  	[smem:$0x3FB5] =	sst s7  }
0x10: {  	[smem:$0x3FB6] =	sst s8  }
0x11: {  	[smem:$0x3FB7] =	sst s9;
	s0 =	simm.s32 @!p0 $0x0  }
0x12: {  	s1 =	sld [smem:$0x3F9D];
	s0 =	simm.s32 @p0 $0x1  }
0x13: {  	[smem:$0x3FB8] =	sst s0;
	s0 =	simm.s32 @!p1 $0x0  }
0x14: {  	s2 =	sld [smem:$0x3F9C];
	s0 =	simm.s32 @p1 $0x1  }
0x15: {  	[smem:$0x3FB9] =	sst s0;
	s0 =	simm.s32 @!p2 $0x0  }
0x16: {  	s3 =	sld [smem:$0x3FDB];
	s0 =	simm.s32 @p2 $0x1  }
0x17: {  	s4 =	simm.s32 $0x1BF5;
	[smem:$0x3FBB] =	sst s0  }
0x18: {  	s0 =	sld [smem:$0x3F9E];
	_ =	swait.ge [sflag:s4], $0x0  }
0x19: {  	s7 =	sld [smem:$0x3F9F]  }
0x1a: {  	s8 =	sadd.s32 $0xFFFFE003, lr  }
0x1b: {  	s9 =	sadd.s32 $0xFFFFFEF7, lr;
	s5 =	simm.s32 $0xFFFFFFFF;
	p2 =	slt.u32 s8, $0xFFFFF086  }
0x1c: {  	p1 =	slt.u32 s9, $0xF7A;
	s5 =	simm.s32 @!p2 $0x0  }
0x1d: {  	s5 =	simm.s32 @p1 $0x1;
	p0 =	seq.s32 s7, s2  }
0x1e: {  	s7 =	smul.u32 @!p0 $0xF7A, s2;
	p2 =	seq.s32 @!p0 s5, $0x0  }
0x1f: {  	s9 =	smul.u32 $0xF7A, s1;
	s8 =	simm.s32 @!p0 $0x1BF5;
	p2 =	por !p2, p0  }
0x20: {  	[sflag:s8] =	ssyncset.s32 @!p0 $0xFFFFF086;
	s6 =	sadd.s32 @!p0 s3, s7;
	s7 =	simm.s32 @!p0 $0x108  }
0x21: {  	s3 =	sadd.s32 s3, s9;
	s6 =	sadd.s32 @!p0 $0x88, s6;
	s7 =	simm.s32 @p2 $0x1082  }
0x22: {  	[simem:s7], [sflag:s8] =	dma.local @!p0 [hbm:s6], $0xF7A  }
0x23: {  	s9 =	sor.u32 $0xD0000000, s2;
	s6 =	simm.s32 $0x108;
	_ =	swait.ge @!p0 [sflag:s8], $0x0  }
0x24: {  	s3 =	sadd.s32 $0x88, s3;
	s6 =	simm.s32 @!p1 $0x1082;
	[sflag:s4] =	ssyncset.s32 $0xFFFFF086  }
0x25: {  	[simem:s6], [sflag:s4] =	dma.local [hbm:s3], $0xF7A  }
0x26: {  	[smem:$0x3F9F] =	sst s1;
	(tag) =	ssettag s2;
	_ =	strace s9  }
0x27: {  	s1 =	sld [smem:$0x3FAF]  }
0x28: {  	s2 =	sld [smem:$0x3FB0]  }
0x29: {  	s4 =	sld [smem:$0x3FB2]  }
0x2a: {  	p0 =	seq.s32 s5, $0x0;
	s5 =	sld [smem:$0x3FB3]  }
0x2b: {  	s6 =	sld [smem:$0x3FB4]  }
0x2c: {  	s7 =	sld [smem:$0x3FB5]  }
0x2d: {  	s3 =	simm.s32 $0x108;
	s8 =	sld [smem:$0x3FB6]  }
0x2e: {  	s3 =	simm.s32 @!p0 $0x1082;
	s9 =	sld [smem:$0x3FB7]  }
0x2f: {  	lr =	sadd.s32 s0, s3;
	s0 =	sld [smem:$0x3FAE]  }
0x30: {  	s3 =	sld [smem:$0x3FB1]  }
0x31: {  	[smem:$0x3FBA] =	sst s10  }
0x32: {  	s10 =	sld [smem:$0x3FB8];
	_ =	sdelay $0x3  }
0x33: {  	p0 =	seq.s32 s10, $0x1;
	s10 =	sld [smem:$0x3FBA];
	_ =	sdelay $0x3  }
0x34: {  	[smem:$0x3FBA] =	sst s10  }
0x35: {  	s10 =	sld [smem:$0x3FB9];
	_ =	sdelay $0x3  }
0x36: {  	p1 =	seq.s32 s10, $0x1;
	s10 =	sld [smem:$0x3FBA];
	_ =	sdelay $0x3  }
0x37: {  	[smem:$0x3FBA] =	sst s10  }
0x38: {  	s10 =	sld [smem:$0x3FBB]  }
0x39: {  	_ = 	snop;
	(pc) =	sbr.ind lr, $3  }
0x3a: {  	_ = 	snop  }
0x3b: {  	_ = 	snop  }
0x3c: {  	p2 =	seq.s32 s10, $0x1;
	s10 =	sld [smem:$0x3FBA]  }
0x3d: {  	_ =	shalt  }
0x3e: {  	_ =	shalt  }
0x3f: {  	_ =	shalt  }
0x40: {  	_ =	shalt  }
0x41: {  	_ =	shalt  }
0x42: {  	_ =	shalt  }
0x43: {  	_ =	shalt  }
0x44: {  	_ =	shalt  }
0x45: {  	_ =	shalt  }
0x46: {  	_ =	shalt  }
0x47: {  	_ =	shalt  }
0x48: {  	_ =	shalt  }
0x49: {  	_ =	shalt  }
0x4a: {  	_ =	shalt  }
0x4b: {  	_ =	shalt  }
0x4c: {  	_ =	shalt  }
0x4d: {  	_ =	shalt  }
0x4e: {  	_ =	shalt  }
0x4f: {  	_ =	shalt  }
0x50: {  	_ =	shalt  }
0x51: {  	_ =	shalt  }
0x52: {  	_ =	shalt  }
0x53: {  	_ =	shalt  }
0x54: {  	_ =	shalt  }
0x55: {  	_ =	shalt  }
0x56: {  	_ =	shalt  }
0x57: {  	_ =	shalt  }
0x58: {  	_ =	shalt  }
0x59: {  	_ =	shalt  }
0x5a: {  	_ =	shalt  }
0x5b: {  	_ =	shalt  }
0x5c: {  	_ =	shalt  }
0x5d: {  	_ =	shalt  }
0x5e: {  	_ =	shalt  }
0x5f: {  	_ =	shalt  }
0x60: {  	_ =	shalt  }
0x61: {  	_ =	shalt  }
0x62: {  	_ =	shalt  }
0x63: {  	_ =	shalt  }
0x64: {  	_ =	shalt  }
0x65: {  	_ =	shalt  }
0x66: {  	_ =	shalt  }
0x67: {  	_ =	shalt  }
0x68: {  	_ =	shalt  }
0x69: {  	_ =	shalt  }
0x6a: {  	_ =	shalt  }
0x6b: {  	_ =	shalt  }
0x6c: {  	_ =	shalt  }
0x6d: {  	_ =	shalt  }
0x6e: {  	_ =	shalt  }
0x6f: {  	_ =	shalt  }
0x70: {  	_ =	shalt  }
0x71: {  	_ =	shalt  }
0x72: {  	_ =	shalt  }
0x73: {  	_ =	shalt  }
0x74: {  	_ =	shalt  }
0x75: {  	_ =	shalt  }
0x76: {  	_ =	shalt  }
0x77: {  	_ =	shalt  }
0x78: {  	_ =	shalt  }
0x79: {  	_ =	shalt  }
0x7a: {  	_ =	shalt  }
0x7b: {  	_ =	shalt  }
0x7c: {  	_ =	shalt  }
0x7d: {  	_ =	shalt  }
0x7e: {  	_ =	shalt  }
0x7f: {  	_ =	shalt  }
0x80: {  	_ =	shalt  }
0x81: {  	_ =	shalt  }
0x82: {  	_ =	shalt  }
0x83: {  	_ =	shalt  }
0x84: {  	_ =	shalt  }
0x85: {  	_ =	shalt  }
0x86: {  	_ =	shalt  }
0x87: {  	_ =	shalt  }
.Lfunc_end0:
.L_simem_size_0:
called_computation_lowered:
.L_overlay_start_0:
0x88: {  	s2 =	sld [smem:$0x3FD9]  }
0x89: {  	s3 =	sld [smem:$0x3FFE];
	_ =	sdelay $0x1  }
0x8a: {  	s1 =	srdreg.scid  }
0x8b: {  	s0 =	sand.u32 $0x1, s1  }
0x8c: {  	s17 =	sshll.u32 s0, $0xA;
	s2 =	sadd.s32 s3, s2  }
0x8d: {  	s2 =	sadd.s32 s2, s17  }
0x8e: {  	[smem:$0x3FC6] =	sst s2  }
0x8f: {  	_ = 	snop  }
0x90: {  	s2 =	sld [smem:$0x3FD0];
	(tm) =	ssettm $0x1  }
0x91: {  	s18 =	sld [smem:$0x3FFB];
	_ =	sdelay $0x3  }
0x92: {  	_ =	strace s18  }
0x93: {  	s3 =	sld [smem:$0x3FFC];
	_ =	sdelay $0x3  }
0x94: {  	_ =	strace s3  }
0x95: {  	s3 =	sld [smem:$0x3FFD];
	_ =	sdelay $0x3  }
0x96: {  	_ =	strace s3  }
0x97: {  	_ =	strace $0x8FFFFFFF  }
0x98: {  	s19 =	sld [smem:$0x3FDB];
	_ =	sdelay $0x1  }
0x99: {  	s4 =	simm.s32 $_scs_section_size  }
0x9a: {  	s5 =	simm.s32 $_size__tile_overlayer_lowered;
	s6 =	simm.s32 $_tile_overlayer_lowered  }
0x9b: {  	s22 =	simm.s32 $0x1BFF;
	s21 =	sshll.u32 s6, $0x1;
	s3 =	sadd.s32 s4, s19  }
0x9c: {  	s7 =	simm.s32 $0x0;
	s20 =	sshll.u32 s5, $0x1;
	s5 =	sadd.s32 s21, s3  }
0x9d: {  	[timem:s7], [sflag:s22] =	dma.local [hbm:s5], s20  }
0x9e: {  	_ =	swait.ge [sflag:s22], s20  }
0x9f: {  	s4 =	ssub.s32 $0x0, s20;
	[sflag:s22] =	ssyncset.done $0x0  }
0xa0: {  	[sflag:s22] =	ssyncadd.s32 s4;
	_ =	sdelay $0x1  }
0xa1: {  	s23 =	simm.s32 $0x1B8B  }
0xa2: {  	_ =	swait.ge [sflag:s23], $0x1  }
0xa3: {  	[sflag:s23] =	ssyncset.done $0x0  }
0xa4: {  	s25 =	simm.s32 $0x1B8E;
	s24 =	sld [smem:$0x3FFE];
	[sflag:s23] =	ssyncadd.s32 $0xFFFFFFFF  }
0xa5: {  	s26 =	simm.s32 $execute0_lowered;
	[smem:$0x3FD2] =	sst s25  }
0xa6: {  	s5 =	sshll.u32 s26, $0x1;
	_ =	strace $0x80000046;
	[dreg:$0x1] =	wrdreg $0xFFFFFFFF  }
0xa7: {  	s28 =	simm.s32 $_size_execute0_lowered;
	s3 =	sadd.s32 s3, s5;
	[dreg:$0x0] =	wrdreg $0x0  }
0xa8: {  	s5 =	sshll.u32 s28, $0x1;
	[dreg:$0x2] =	wrdreg s3  }
0xa9: {  	[dreg:$0x3] =	wrdreg s5  }
0xaa: {  	[dreg:$0x4] =	wrdreg $0xC0  }
0xab: {  	_ =	task [dreg:s7], $0x5FFFF  }
0xac: {  	[dreg:$0x1] =	wrdreg $0xFFFFFFFF  }
0xad: {  	[dreg:$0x0] =	wrdreg $0x60  }
0xae: {  	[dreg:$0x2] =	wrdreg s24  }
0xaf: {  	[dreg:$0x3] =	wrdreg s2  }
0xb0: {  	[dreg:$0x4] =	wrdreg $0x9  }
0xb1: {  	_ =	task.clear_ibuf [dreg:s7], $0x5FFFF;
	_ =	strace $0x90000046  }
0xb2: {  	s29 =	simm.s32 $0x9;
	_ =	strace $0x80000048  }
0xb3: {  	_ =	swait.ge [sflag:s29], $0x1  }
0xb4: {  	[sflag:s29] =	ssyncadd.s32 $0xFFFFFFFF  }
0xb5: {  	_ =	strace $0x90000048  }
0xb6: {  	_ =	sfence  }
0xb7: {  	s30 =	sld [smem:$0x0];
	_ =	sdelay $0x2  }
0xb8: {  	s31 =	sshll.u32 s1, $0xD;
	s1 =	sshrl.u32 s1, $0x2  }
0xb9: {  	s3 =	sand.u32 $0x4000, s31;
	s1 =	sadd.s32 s1, s30  }
0xba: {  	s0 =	sor.u32 s3, s0;
	s1 =	sshll.u32 s1, $0x11  }
0xbb: {  	s0 =	sor.u32 s1, s0  }
0xbc: {  	s0 =	sadd.s32 $0x8F2B, s0  }
0xbd: {  	[sflag:s0] =	ssyncadd.remote.s32 $0x1  }
0xbe: {  	_ =	sfence.sel $0xFFFF  }
0xbf: {  	[dreg:$0x0] =	wrdreg $0xFFFFFFFF;
	(pc) =	sbr.abs _section_cstart, $3  }
0xc0: {  	[dreg:$0x1] =	wrdreg $0xFFFFFFFF  }
0xc1: {  	_ =	task.clear_ibuf [dreg:s7], $0x2FFFF;
	_ =	strace $0x9FFFFFFF  }
0xc2: {  	(tm) =	ssettm $0x7FFFFFFF  }
0xc3: {  	_ =	shalt  }
tec
execute0_lowered:
.L_overlay_start_1:
0x0: {  	(tag) =	ssettag $0x1  }
0x1: {  	s4 =	rddreg [dreg:$0x0]  }
0x2: {  	s11 =	rddreg [dreg:$0x1]  }
0x3: {  	s0 =	rddreg [dreg:$0x2];
	s1 =	simm.s32 $0x0  }
0x4: {  	s5 =	srdreg.scid;
	s2 =	stileid.u32;
	s15 =	simm.s32 $0x880  }
0x5: {  	s16 =	simm.s32 $0x1080;
	s17 =	simm.s32 $0x1880;
	s18 =	simm.s32 $0x2080  }
0x6: {  	s19 =	simm.s32 $0x2880;
	s20 =	simm.s32 $0x3080;
	s28 =	simm.s32 $0x6880  }
0x7: {  	s29 =	simm.s32 $0x7080;
	s30 =	simm.s32 $0x7880;
	s31 =	simm.s32 $0x1  }
0x8: {  	[smem:$0x7FF] =	sst s1;
	s3 =	sadd.s32 $0x1000, s4;
	s5 =	sand.u32 $0x1, s5  }
0x9: {  	s7 =	sshll.u32 s2, $0xA;
	s6 =	ssub.s32 $0x2, s5;
	s5 =	sshll.u32 s5, $0x9  }
0xa: {  	s10 =	sadd.s32 $0x41000, s4;
	s21 =	sshrl.u32 s6, $0x1;
	s9 =	sor.u32 s5, s7  }
0xb: {  	_ =	strace $0x80000047;
	s12 =	ssub.s32 s6, s21;
	s22 =	sshrl.u32 s9, $0x3  }
0xc: {  	s5 =	sshll.u32 s9, $0x5;
	s23 =	sor.u32 $0x80, s9;
	s13 =	sor.u32 $0x100, s9  }
0xd: {  	s14 =	sor.u32 $0x180, s9;
	s21 =	simm.s32 $0x3880;
	s4 =	sadd.s32 s10, s22  }
0xe: {  	s5 =	sadd.s32 s11, s5;
	s24 =	sshrl.u32 s23, $0x3;
	s8 =	sshll.u32 s23, $0x5  }
0xf: {  	s25 =	sshrl.u32 s13, $0x3;
	s13 =	sshll.u32 s13, $0x5;
	s26 =	sshrl.u32 s14, $0x3  }
0x10: {  	s14 =	sshll.u32 s14, $0x5;
	s12 =	smax.u32 s12, $0x1;
	s22 =	simm.s32 $0x4080  }
0x11: {  	s23 =	simm.s32 $0x4880;
	s6 =	sadd.s32 s10, s24;
	s7 =	sadd.s32 s11, s8  }
0x12: {  	v2 =	vlaneseq.u32;
	s8 =	sadd.s32 s10, s25;
	s9 =	sadd.s32 s11, s13;
	s10 =	sadd.s32 s10, s26  }
0x13: {  	vm0 =	vmmov $0xffff;
	v1 =	vshrl.u32 v2, $0x3;
	s11 =	sadd.s32 s11, s14;
	s13 =	simm.s32 $0x2;
	s14 =	simm.s32 $0x80  }
0x14: {  	v0 =	vand.u32 $0x7, v2;
	v2 =	vor.u32 $0x8, v2;
	v1 =	vmul.u32 $0x8, v1;
	s24 =	simm.s32 $0x5080;
	s25 =	simm.s32 $0x5880;
	s26 =	simm.s32 $0x6080  }
.LBB2_1:
0x15: {  	[tilespmem:s1], [sflag:$0x2] =	stream.linear.gather [hbm4b:s4+s1], $0x80, $0x38;
	[tilespmem:$0x8080] =	vst v63  }
0x16: {  	_ =	swait.ge [sflag:s13], $0x80  }
0x17: {  	[sflag:s13] =	ssyncset.done $0x0  }
0x18: {  	[sflag:s13] =	ssyncadd.s32 $0xFFFFFF80  }
0x19: {  	v3 =	vld [tilespmem:$0x0];
	_ =	sdelay $0x4  }
0x1a: {  	v4 =	vshll.u32 v3, $0x1  }
0x1b: {  	v3 =	vand.u32 $0x7, v3;
	v4 =	vand.u32 $0xFFFFFFF0, v4  }
0x1c: {  	v3 =	vor.u32 v3, v4  }
0x1d: {  	v4 =	vperm.xlane v3, v0;
	_ =	sdelay $0x1  }
0x1e: {  	v3 =	vperm.xlane v3, v2;
	v4 =	vadd.s32 v1, v4;
	_ =	sdelay $0x1  }
0x1f: {  	v3 =	vadd.s32 v1, v3;
	_ =	sdelay $0x2  }
0x20: {  	[tilespmem:s14], [sflag:$0x1] =	stream.indirect_vreg.gather [hbm4b:s3+s1], $0x80, v4, vm0, $0xb8;
	[tilespmem:$0x8080] =	vst v63  }
0x21: {  	_ = 	snop  }
0x22: {  	[tilespmem:s15], [sflag:$0x1] =	stream.indirect_vreg.gather [hbm4b:s3+s1], $0x80, v3, vm0, $0xb8;
	[tilespmem:$0x8080] =	vst v63  }
0x23: {  	v3 =	vld [tilespmem:$0x10];
	_ =	sdelay $0x4  }
0x24: {  	v33 =	vshll.u32 v3, $0x1  }
0x25: {  	v3 =	vand.u32 $0x7, v3;
	v4 =	vand.u32 $0xFFFFFFF0, v33  }
0x26: {  	v3 =	vor.u32 v3, v4  }
0x27: {  	v4 =	vperm.xlane v3, v0;
	_ =	sdelay $0x1  }
0x28: {  	v3 =	vperm.xlane v3, v2;
	v4 =	vadd.s32 v1, v4;
	_ =	sdelay $0x1  }
0x29: {  	v3 =	vadd.s32 v1, v3;
	_ =	sdelay $0x2  }
0x2a: {  	[tilespmem:s16], [sflag:$0x1] =	stream.indirect_vreg.gather [hbm4b:s3+s1], $0x80, v4, vm0, $0xb8;
	[tilespmem:$0x8080] =	vst v63  }
0x2b: {  	_ = 	snop  }
0x2c: {  	[tilespmem:s17], [sflag:$0x1] =	stream.indirect_vreg.gather [hbm4b:s3+s1], $0x80, v3, vm0, $0xb8;
	[tilespmem:$0x8080] =	vst v63  }
0x2d: {  	v3 =	vld [tilespmem:$0x20];
	_ =	sdelay $0x4  }
0x2e: {  	v34 =	vshll.u32 v3, $0x1  }
0x2f: {  	v3 =	vand.u32 $0x7, v3;
	v4 =	vand.u32 $0xFFFFFFF0, v34  }
0x30: {  	v3 =	vor.u32 v3, v4  }
0x31: {  	v4 =	vperm.xlane v3, v0;
	_ =	sdelay $0x1  }
0x32: {  	v3 =	vperm.xlane v3, v2;
	v4 =	vadd.s32 v1, v4;
	_ =	sdelay $0x1  }
0x33: {  	v3 =	vadd.s32 v1, v3;
	_ =	sdelay $0x2  }
0x34: {  	[tilespmem:s18], [sflag:$0x1] =	stream.indirect_vreg.gather [hbm4b:s3+s1], $0x80, v4, vm0, $0xb8;
	[tilespmem:$0x8080] =	vst v63  }
0x35: {  	_ = 	snop  }
0x36: {  	[tilespmem:s19], [sflag:$0x1] =	stream.indirect_vreg.gather [hbm4b:s3+s1], $0x80, v3, vm0, $0xb8;
	[tilespmem:$0x8080] =	vst v63  }
0x37: {  	v3 =	vld [tilespmem:$0x30];
	_ =	sdelay $0x4  }
0x38: {  	v35 =	vshll.u32 v3, $0x1  }
0x39: {  	v3 =	vand.u32 $0x7, v3;
	v4 =	vand.u32 $0xFFFFFFF0, v35  }
0x3a: {  	v3 =	vor.u32 v3, v4  }
0x3b: {  	v4 =	vperm.xlane v3, v0;
	_ =	sdelay $0x1  }
0x3c: {  	v3 =	vperm.xlane v3, v2;
	v4 =	vadd.s32 v1, v4;
	_ =	sdelay $0x1  }
0x3d: {  	v3 =	vadd.s32 v1, v3;
	_ =	sdelay $0x2  }
0x3e: {  	[tilespmem:s20], [sflag:$0x1] =	stream.indirect_vreg.gather [hbm4b:s3+s1], $0x80, v4, vm0, $0xb8;
	[tilespmem:$0x8080] =	vst v63  }
0x3f: {  	_ = 	snop  }
0x40: {  	[tilespmem:s21], [sflag:$0x1] =	stream.indirect_vreg.gather [hbm4b:s3+s1], $0x80, v3, vm0, $0xb8;
	[tilespmem:$0x8080] =	vst v63  }
0x41: {  	v3 =	vld [tilespmem:$0x40];
	_ =	sdelay $0x4  }
0x42: {  	v36 =	vshll.u32 v3, $0x1  }
0x43: {  	v3 =	vand.u32 $0x7, v3;
	v4 =	vand.u32 $0xFFFFFFF0, v36  }
0x44: {  	v3 =	vor.u32 v3, v4  }
0x45: {  	v4 =	vperm.xlane v3, v0;
	_ =	sdelay $0x1  }
0x46: {  	v3 =	vperm.xlane v3, v2;
	v4 =	vadd.s32 v1, v4;
	_ =	sdelay $0x1  }
0x47: {  	v3 =	vadd.s32 v1, v3;
	_ =	sdelay $0x2  }
0x48: {  	[tilespmem:s22], [sflag:$0x1] =	stream.indirect_vreg.gather [hbm4b:s3+s1], $0x80, v4, vm0, $0xb8;
	[tilespmem:$0x8080] =	vst v63  }
0x49: {  	_ = 	snop  }
0x4a: {  	[tilespmem:s23], [sflag:$0x1] =	stream.indirect_vreg.gather [hbm4b:s3+s1], $0x80, v3, vm0, $0xb8;
	[tilespmem:$0x8080] =	vst v63  }
0x4b: {  	v3 =	vld [tilespmem:$0x50];
	_ =	sdelay $0x4  }
0x4c: {  	v37 =	vshll.u32 v3, $0x1  }
0x4d: {  	v3 =	vand.u32 $0x7, v3;
	v4 =	vand.u32 $0xFFFFFFF0, v37  }
0x4e: {  	v3 =	vor.u32 v3, v4  }
0x4f: {  	v4 =	vperm.xlane v3, v0;
	_ =	sdelay $0x1  }
0x50: {  	v3 =	vperm.xlane v3, v2;
	v4 =	vadd.s32 v1, v4;
	_ =	sdelay $0x1  }
0x51: {  	v3 =	vadd.s32 v1, v3;
	_ =	sdelay $0x2  }
0x52: {  	[tilespmem:s24], [sflag:$0x1] =	stream.indirect_vreg.gather [hbm4b:s3+s1], $0x80, v4, vm0, $0xb8;
	[tilespmem:$0x8080] =	vst v63  }
0x53: {  	_ = 	snop  }
0x54: {  	[tilespmem:s25], [sflag:$0x1] =	stream.indirect_vreg.gather [hbm4b:s3+s1], $0x80, v3, vm0, $0xb8;
	[tilespmem:$0x8080] =	vst v63  }
0x55: {  	v3 =	vld [tilespmem:$0x60];
	_ =	sdelay $0x4  }
0x56: {  	v38 =	vshll.u32 v3, $0x1  }
0x57: {  	v3 =	vand.u32 $0x7, v3;
	v4 =	vand.u32 $0xFFFFFFF0, v38  }
0x58: {  	v3 =	vor.u32 v3, v4  }
0x59: {  	v4 =	vperm.xlane v3, v0;
	_ =	sdelay $0x1  }
0x5a: {  	v3 =	vperm.xlane v3, v2;
	v4 =	vadd.s32 v1, v4;
	_ =	sdelay $0x1  }
0x5b: {  	v3 =	vadd.s32 v1, v3;
	_ =	sdelay $0x2  }
0x5c: {  	[tilespmem:s26], [sflag:$0x1] =	stream.indirect_vreg.gather [hbm4b:s3+s1], $0x80, v4, vm0, $0xb8;
	[tilespmem:$0x8080] =	vst v63  }
0x5d: {  	_ = 	snop  }
0x5e: {  	[tilespmem:s28], [sflag:$0x1] =	stream.indirect_vreg.gather [hbm4b:s3+s1], $0x80, v3, vm0, $0xb8;
	[tilespmem:$0x8080] =	vst v63  }
0x5f: {  	v3 =	vld [tilespmem:$0x70];
	_ =	sdelay $0x4  }
0x60: {  	v39 =	vshll.u32 v3, $0x1  }
0x61: {  	v3 =	vand.u32 $0x7, v3;
	v4 =	vand.u32 $0xFFFFFFF0, v39  }
0x62: {  	v3 =	vor.u32 v3, v4  }
0x63: {  	v4 =	vperm.xlane v3, v0;
	_ =	sdelay $0x1  }
0x64: {  	v3 =	vperm.xlane v3, v2;
	v4 =	vadd.s32 v1, v4;
	_ =	sdelay $0x1  }
0x65: {  	v3 =	vadd.s32 v1, v3;
	_ =	sdelay $0x2  }
0x66: {  	[tilespmem:s29], [sflag:$0x1] =	stream.indirect_vreg.gather [hbm4b:s3+s1], $0x80, v4, vm0, $0xb8;
	[tilespmem:$0x8080] =	vst v63  }
0x67: {  	_ = 	snop  }
0x68: {  	[tilespmem:s30], [sflag:$0x1] =	stream.indirect_vreg.gather [hbm4b:s3+s1], $0x80, v3, vm0, $0xb8;
	[tilespmem:$0x8080] =	vst v63  }
0x69: {  	_ =	swait.ge [sflag:s31], $0x8000  }
0x6a: {  	[sflag:s31] =	ssyncset.done $0x0  }
0x6b: {  	[sflag:s31] =	ssyncadd.s32 $0xFFFF8000  }
0x6c: {  	[hbm4b:s5+s1] =	stream.linear.scatter [tilespmem:s14], [sflag:$0x2], $0x8000, $0x38;
	[tilespmem:$0x8080] =	vst v63  }
0x6d: {  	_ =	swait.ge [sflag:s13], $0x8000  }
0x6e: {  	[sflag:s13] =	ssyncset.done $0x0  }
0x6f: {  	[sflag:s13] =	ssyncadd.s32 $0xFFFF8000  }
0x70: {  	[tilespmem:s1], [sflag:$0x2] =	stream.linear.gather [hbm4b:s6+s1], $0x80, $0x38;
	[tilespmem:$0x8080] =	vst v63  }
0x71: {  	_ =	swait.ge [sflag:s13], $0x80  }
0x72: {  	[sflag:s13] =	ssyncset.done $0x0  }
0x73: {  	[sflag:s13] =	ssyncadd.s32 $0xFFFFFF80  }
0x74: {  	v3 =	vld [tilespmem:$0x0];
	_ =	sdelay $0x4  }
0x75: {  	v40 =	vshll.u32 v3, $0x1  }
0x76: {  	v3 =	vand.u32 $0x7, v3;
	v4 =	vand.u32 $0xFFFFFFF0, v40  }
0x77: {  	v3 =	vor.u32 v3, v4  }
0x78: {  	v4 =	vperm.xlane v3, v0;
	_ =	sdelay $0x1  }
0x79: {  	v3 =	vperm.xlane v3, v2;
	v4 =	vadd.s32 v1, v4;
	_ =	sdelay $0x1  }
0x7a: {  	v3 =	vadd.s32 v1, v3;
	_ =	sdelay $0x2  }
0x7b: {  	[tilespmem:s14], [sflag:$0x1] =	stream.indirect_vreg.gather [hbm4b:s3+s1], $0x80, v4, vm0, $0xb8;
	[tilespmem:$0x8080] =	vst v63  }
0x7c: {  	_ = 	snop  }
0x7d: {  	[tilespmem:s15], [sflag:$0x1] =	stream.indirect_vreg.gather [hbm4b:s3+s1], $0x80, v3, vm0, $0xb8;
	[tilespmem:$0x8080] =	vst v63  }
0x7e: {  	v3 =	vld [tilespmem:$0x10];
	_ =	sdelay $0x4  }
0x7f: {  	v41 =	vshll.u32 v3, $0x1  }
0x80: {  	v3 =	vand.u32 $0x7, v3;
	v4 =	vand.u32 $0xFFFFFFF0, v41  }
0x81: {  	v3 =	vor.u32 v3, v4  }
0x82: {  	v4 =	vperm.xlane v3, v0;
	_ =	sdelay $0x1  }
0x83: {  	v3 =	vperm.xlane v3, v2;
	v4 =	vadd.s32 v1, v4;
	_ =	sdelay $0x1  }
0x84: {  	v3 =	vadd.s32 v1, v3;
	_ =	sdelay $0x2  }
0x85: {  	[tilespmem:s16], [sflag:$0x1] =	stream.indirect_vreg.gather [hbm4b:s3+s1], $0x80, v4, vm0, $0xb8;
	[tilespmem:$0x8080] =	vst v63  }
0x86: {  	_ = 	snop  }
0x87: {  	[tilespmem:s17], [sflag:$0x1] =	stream.indirect_vreg.gather [hbm4b:s3+s1], $0x80, v3, vm0, $0xb8;
	[tilespmem:$0x8080] =	vst v63  }
0x88: {  	v3 =	vld [tilespmem:$0x20];
	_ =	sdelay $0x4  }
0x89: {  	v42 =	vshll.u32 v3, $0x1  }
0x8a: {  	v3 =	vand.u32 $0x7, v3;
	v4 =	vand.u32 $0xFFFFFFF0, v42  }
0x8b: {  	v3 =	vor.u32 v3, v4  }
0x8c: {  	v4 =	vperm.xlane v3, v0;
	_ =	sdelay $0x1  }
0x8d: {  	v3 =	vperm.xlane v3, v2;
	v4 =	vadd.s32 v1, v4;
	_ =	sdelay $0x1  }
0x8e: {  	v3 =	vadd.s32 v1, v3;
	_ =	sdelay $0x2  }
0x8f: {  	[tilespmem:s18], [sflag:$0x1] =	stream.indirect_vreg.gather [hbm4b:s3+s1], $0x80, v4, vm0, $0xb8;
	[tilespmem:$0x8080] =	vst v63  }
0x90: {  	_ = 	snop  }
0x91: {  	[tilespmem:s19], [sflag:$0x1] =	stream.indirect_vreg.gather [hbm4b:s3+s1], $0x80, v3, vm0, $0xb8;
	[tilespmem:$0x8080] =	vst v63  }
0x92: {  	v3 =	vld [tilespmem:$0x30];
	_ =	sdelay $0x4  }
0x93: {  	v43 =	vshll.u32 v3, $0x1  }
0x94: {  	v3 =	vand.u32 $0x7, v3;
	v4 =	vand.u32 $0xFFFFFFF0, v43  }
0x95: {  	v3 =	vor.u32 v3, v4  }
0x96: {  	v4 =	vperm.xlane v3, v0;
	_ =	sdelay $0x1  }
0x97: {  	v3 =	vperm.xlane v3, v2;
	v4 =	vadd.s32 v1, v4;
	_ =	sdelay $0x1  }
0x98: {  	v3 =	vadd.s32 v1, v3;
	_ =	sdelay $0x2  }
0x99: {  	[tilespmem:s20], [sflag:$0x1] =	stream.indirect_vreg.gather [hbm4b:s3+s1], $0x80, v4, vm0, $0xb8;
	[tilespmem:$0x8080] =	vst v63  }
0x9a: {  	_ = 	snop  }
0x9b: {  	[tilespmem:s21], [sflag:$0x1] =	stream.indirect_vreg.gather [hbm4b:s3+s1], $0x80, v3, vm0, $0xb8;
	[tilespmem:$0x8080] =	vst v63  }
0x9c: {  	v3 =	vld [tilespmem:$0x40];
	_ =	sdelay $0x4  }
0x9d: {  	v44 =	vshll.u32 v3, $0x1  }
0x9e: {  	v3 =	vand.u32 $0x7, v3;
	v4 =	vand.u32 $0xFFFFFFF0, v44  }
0x9f: {  	v3 =	vor.u32 v3, v4  }
0xa0: {  	v4 =	vperm.xlane v3, v0;
	_ =	sdelay $0x1  }
0xa1: {  	v3 =	vperm.xlane v3, v2;
	v4 =	vadd.s32 v1, v4;
	_ =	sdelay $0x1  }
0xa2: {  	v3 =	vadd.s32 v1, v3;
	_ =	sdelay $0x2  }
0xa3: {  	[tilespmem:s22], [sflag:$0x1] =	stream.indirect_vreg.gather [hbm4b:s3+s1], $0x80, v4, vm0, $0xb8;
	[tilespmem:$0x8080] =	vst v63  }
0xa4: {  	_ = 	snop  }
0xa5: {  	[tilespmem:s23], [sflag:$0x1] =	stream.indirect_vreg.gather [hbm4b:s3+s1], $0x80, v3, vm0, $0xb8;
	[tilespmem:$0x8080] =	vst v63  }
0xa6: {  	v3 =	vld [tilespmem:$0x50];
	_ =	sdelay $0x4  }
0xa7: {  	v45 =	vshll.u32 v3, $0x1  }
0xa8: {  	v3 =	vand.u32 $0x7, v3;
	v4 =	vand.u32 $0xFFFFFFF0, v45  }
0xa9: {  	v3 =	vor.u32 v3, v4  }
0xaa: {  	v4 =	vperm.xlane v3, v0;
	_ =	sdelay $0x1  }
0xab: {  	v3 =	vperm.xlane v3, v2;
	v4 =	vadd.s32 v1, v4;
	_ =	sdelay $0x1  }
0xac: {  	v3 =	vadd.s32 v1, v3;
	_ =	sdelay $0x2  }
0xad: {  	[tilespmem:s24], [sflag:$0x1] =	stream.indirect_vreg.gather [hbm4b:s3+s1], $0x80, v4, vm0, $0xb8;
	[tilespmem:$0x8080] =	vst v63  }
0xae: {  	_ = 	snop  }
0xaf: {  	[tilespmem:s25], [sflag:$0x1] =	stream.indirect_vreg.gather [hbm4b:s3+s1], $0x80, v3, vm0, $0xb8;
	[tilespmem:$0x8080] =	vst v63  }
0xb0: {  	v3 =	vld [tilespmem:$0x60];
	_ =	sdelay $0x4  }
0xb1: {  	v46 =	vshll.u32 v3, $0x1  }
0xb2: {  	v3 =	vand.u32 $0x7, v3;
	v4 =	vand.u32 $0xFFFFFFF0, v46  }
0xb3: {  	v3 =	vor.u32 v3, v4  }
0xb4: {  	v4 =	vperm.xlane v3, v0;
	_ =	sdelay $0x1  }
0xb5: {  	v3 =	vperm.xlane v3, v2;
	v4 =	vadd.s32 v1, v4;
	_ =	sdelay $0x1  }
0xb6: {  	v3 =	vadd.s32 v1, v3;
	_ =	sdelay $0x2  }
0xb7: {  	[tilespmem:s26], [sflag:$0x1] =	stream.indirect_vreg.gather [hbm4b:s3+s1], $0x80, v4, vm0, $0xb8;
	[tilespmem:$0x8080] =	vst v63  }
0xb8: {  	_ = 	snop  }
0xb9: {  	[tilespmem:s28], [sflag:$0x1] =	stream.indirect_vreg.gather [hbm4b:s3+s1], $0x80, v3, vm0, $0xb8;
	[tilespmem:$0x8080] =	vst v63  }
0xba: {  	v3 =	vld [tilespmem:$0x70];
	_ =	sdelay $0x4  }
0xbb: {  	v47 =	vshll.u32 v3, $0x1  }
0xbc: {  	v3 =	vand.u32 $0x7, v3;
	v4 =	vand.u32 $0xFFFFFFF0, v47  }
0xbd: {  	v3 =	vor.u32 v3, v4  }
0xbe: {  	v4 =	vperm.xlane v3, v0;
	_ =	sdelay $0x1  }
0xbf: {  	v3 =	vperm.xlane v3, v2;
	v4 =	vadd.s32 v1, v4;
	_ =	sdelay $0x1  }
0xc0: {  	v3 =	vadd.s32 v1, v3;
	_ =	sdelay $0x2  }
0xc1: {  	[tilespmem:s29], [sflag:$0x1] =	stream.indirect_vreg.gather [hbm4b:s3+s1], $0x80, v4, vm0, $0xb8;
	[tilespmem:$0x8080] =	vst v63  }
0xc2: {  	_ = 	snop  }
0xc3: {  	[tilespmem:s30], [sflag:$0x1] =	stream.indirect_vreg.gather [hbm4b:s3+s1], $0x80, v3, vm0, $0xb8;
	[tilespmem:$0x8080] =	vst v63  }
0xc4: {  	_ =	swait.ge [sflag:s31], $0x8000  }
0xc5: {  	[sflag:s31] =	ssyncset.done $0x0  }
0xc6: {  	[sflag:s31] =	ssyncadd.s32 $0xFFFF8000  }
0xc7: {  	[hbm4b:s7+s1] =	stream.linear.scatter [tilespmem:s14], [sflag:$0x2], $0x8000, $0x38;
	[tilespmem:$0x8080] =	vst v63  }
0xc8: {  	_ =	swait.ge [sflag:s13], $0x8000  }
0xc9: {  	[sflag:s13] =	ssyncset.done $0x0  }
0xca: {  	[sflag:s13] =	ssyncadd.s32 $0xFFFF8000  }
0xcb: {  	[tilespmem:s1], [sflag:$0x2] =	stream.linear.gather [hbm4b:s8+s1], $0x80, $0x38;
	[tilespmem:$0x8080] =	vst v63  }
0xcc: {  	_ =	swait.ge [sflag:s13], $0x80  }
0xcd: {  	[sflag:s13] =	ssyncset.done $0x0  }
0xce: {  	[sflag:s13] =	ssyncadd.s32 $0xFFFFFF80  }
0xcf: {  	v3 =	vld [tilespmem:$0x0];
	_ =	sdelay $0x4  }
0xd0: {  	v48 =	vshll.u32 v3, $0x1  }
0xd1: {  	v3 =	vand.u32 $0x7, v3;
	v4 =	vand.u32 $0xFFFFFFF0, v48  }
0xd2: {  	v3 =	vor.u32 v3, v4  }
0xd3: {  	v4 =	vperm.xlane v3, v0;
	_ =	sdelay $0x1  }
0xd4: {  	v3 =	vperm.xlane v3, v2;
	v4 =	vadd.s32 v1, v4;
	_ =	sdelay $0x1  }
0xd5: {  	v3 =	vadd.s32 v1, v3;
	_ =	sdelay $0x2  }
0xd6: {  	[tilespmem:s14], [sflag:$0x1] =	stream.indirect_vreg.gather [hbm4b:s3+s1], $0x80, v4, vm0, $0xb8;
	[tilespmem:$0x8080] =	vst v63  }
0xd7: {  	_ = 	snop  }
0xd8: {  	[tilespmem:s15], [sflag:$0x1] =	stream.indirect_vreg.gather [hbm4b:s3+s1], $0x80, v3, vm0, $0xb8;
	[tilespmem:$0x8080] =	vst v63  }
0xd9: {  	v3 =	vld [tilespmem:$0x10];
	_ =	sdelay $0x4  }
0xda: {  	v49 =	vshll.u32 v3, $0x1  }
0xdb: {  	v3 =	vand.u32 $0x7, v3;
	v4 =	vand.u32 $0xFFFFFFF0, v49  }
0xdc: {  	v3 =	vor.u32 v3, v4  }
0xdd: {  	v4 =	vperm.xlane v3, v0;
	_ =	sdelay $0x1  }
0xde: {  	v3 =	vperm.xlane v3, v2;
	v4 =	vadd.s32 v1, v4;
	_ =	sdelay $0x1  }
0xdf: {  	v3 =	vadd.s32 v1, v3;
	_ =	sdelay $0x2  }
0xe0: {  	[tilespmem:s16], [sflag:$0x1] =	stream.indirect_vreg.gather [hbm4b:s3+s1], $0x80, v4, vm0, $0xb8;
	[tilespmem:$0x8080] =	vst v63  }
0xe1: {  	_ = 	snop  }
0xe2: {  	[tilespmem:s17], [sflag:$0x1] =	stream.indirect_vreg.gather [hbm4b:s3+s1], $0x80, v3, vm0, $0xb8;
	[tilespmem:$0x8080] =	vst v63  }
0xe3: {  	v3 =	vld [tilespmem:$0x20];
	_ =	sdelay $0x4  }
0xe4: {  	v50 =	vshll.u32 v3, $0x1  }
0xe5: {  	v3 =	vand.u32 $0x7, v3;
	v4 =	vand.u32 $0xFFFFFFF0, v50  }
0xe6: {  	v3 =	vor.u32 v3, v4  }
0xe7: {  	v4 =	vperm.xlane v3, v0;
	_ =	sdelay $0x1  }
0xe8: {  	v3 =	vperm.xlane v3, v2;
	v4 =	vadd.s32 v1, v4;
	_ =	sdelay $0x1  }
0xe9: {  	v3 =	vadd.s32 v1, v3;
	_ =	sdelay $0x2  }
0xea: {  	[tilespmem:s18], [sflag:$0x1] =	stream.indirect_vreg.gather [hbm4b:s3+s1], $0x80, v4, vm0, $0xb8;
	[tilespmem:$0x8080] =	vst v63  }
0xeb: {  	_ = 	snop  }
0xec: {  	[tilespmem:s19], [sflag:$0x1] =	stream.indirect_vreg.gather [hbm4b:s3+s1], $0x80, v3, vm0, $0xb8;
	[tilespmem:$0x8080] =	vst v63  }
0xed: {  	v3 =	vld [tilespmem:$0x30];
	_ =	sdelay $0x4  }
0xee: {  	v51 =	vshll.u32 v3, $0x1  }
0xef: {  	v3 =	vand.u32 $0x7, v3;
	v4 =	vand.u32 $0xFFFFFFF0, v51  }
0xf0: {  	v3 =	vor.u32 v3, v4  }
0xf1: {  	v4 =	vperm.xlane v3, v0;
	_ =	sdelay $0x1  }
0xf2: {  	v3 =	vperm.xlane v3, v2;
	v4 =	vadd.s32 v1, v4;
	_ =	sdelay $0x1  }
0xf3: {  	v3 =	vadd.s32 v1, v3;
	_ =	sdelay $0x2  }
0xf4: {  	[tilespmem:s20], [sflag:$0x1] =	stream.indirect_vreg.gather [hbm4b:s3+s1], $0x80, v4, vm0, $0xb8;
	[tilespmem:$0x8080] =	vst v63  }
0xf5: {  	_ = 	snop  }
0xf6: {  	[tilespmem:s21], [sflag:$0x1] =	stream.indirect_vreg.gather [hbm4b:s3+s1], $0x80, v3, vm0, $0xb8;
	[tilespmem:$0x8080] =	vst v63  }
0xf7: {  	v3 =	vld [tilespmem:$0x40];
	_ =	sdelay $0x4  }
0xf8: {  	v52 =	vshll.u32 v3, $0x1  }
0xf9: {  	v3 =	vand.u32 $0x7, v3;
	v4 =	vand.u32 $0xFFFFFFF0, v52  }
0xfa: {  	v3 =	vor.u32 v3, v4  }
0xfb: {  	v4 =	vperm.xlane v3, v0;
	_ =	sdelay $0x1  }
0xfc: {  	v3 =	vperm.xlane v3, v2;
	v4 =	vadd.s32 v1, v4;
	_ =	sdelay $0x1  }
0xfd: {  	v3 =	vadd.s32 v1, v3;
	_ =	sdelay $0x2  }
0xfe: {  	[tilespmem:s22], [sflag:$0x1] =	stream.indirect_vreg.gather [hbm4b:s3+s1], $0x80, v4, vm0, $0xb8;
	[tilespmem:$0x8080] =	vst v63  }
0xff: {  	_ = 	snop  }
0x100: {  	[tilespmem:s23], [sflag:$0x1] =	stream.indirect_vreg.gather [hbm4b:s3+s1], $0x80, v3, vm0, $0xb8;
	[tilespmem:$0x8080] =	vst v63  }
0x101: {  	v3 =	vld [tilespmem:$0x50];
	_ =	sdelay $0x4  }
0x102: {  	v53 =	vshll.u32 v3, $0x1  }
0x103: {  	v3 =	vand.u32 $0x7, v3;
	v4 =	vand.u32 $0xFFFFFFF0, v53  }
0x104: {  	v3 =	vor.u32 v3, v4  }
0x105: {  	v4 =	vperm.xlane v3, v0;
	_ =	sdelay $0x1  }
0x106: {  	v3 =	vperm.xlane v3, v2;
	v4 =	vadd.s32 v1, v4;
	_ =	sdelay $0x1  }
0x107: {  	v3 =	vadd.s32 v1, v3;
	_ =	sdelay $0x2  }
0x108: {  	[tilespmem:s24], [sflag:$0x1] =	stream.indirect_vreg.gather [hbm4b:s3+s1], $0x80, v4, vm0, $0xb8;
	[tilespmem:$0x8080] =	vst v63  }
0x109: {  	_ = 	snop  }
0x10a: {  	[tilespmem:s25], [sflag:$0x1] =	stream.indirect_vreg.gather [hbm4b:s3+s1], $0x80, v3, vm0, $0xb8;
	[tilespmem:$0x8080] =	vst v63  }
0x10b: {  	v3 =	vld [tilespmem:$0x60];
	_ =	sdelay $0x4  }
0x10c: {  	v54 =	vshll.u32 v3, $0x1  }
0x10d: {  	v3 =	vand.u32 $0x7, v3;
	v4 =	vand.u32 $0xFFFFFFF0, v54  }
0x10e: {  	v3 =	vor.u32 v3, v4  }
0x10f: {  	v4 =	vperm.xlane v3, v0;
	_ =	sdelay $0x1  }
0x110: {  	v3 =	vperm.xlane v3, v2;
	v4 =	vadd.s32 v1, v4;
	_ =	sdelay $0x1  }
0x111: {  	v3 =	vadd.s32 v1, v3;
	_ =	sdelay $0x2  }
0x112: {  	[tilespmem:s26], [sflag:$0x1] =	stream.indirect_vreg.gather [hbm4b:s3+s1], $0x80, v4, vm0, $0xb8;
	[tilespmem:$0x8080] =	vst v63  }
0x113: {  	_ = 	snop  }
0x114: {  	[tilespmem:s28], [sflag:$0x1] =	stream.indirect_vreg.gather [hbm4b:s3+s1], $0x80, v3, vm0, $0xb8;
	[tilespmem:$0x8080] =	vst v63  }
0x115: {  	v3 =	vld [tilespmem:$0x70];
	_ =	sdelay $0x4  }
0x116: {  	v55 =	vshll.u32 v3, $0x1  }
0x117: {  	v3 =	vand.u32 $0x7, v3;
	v4 =	vand.u32 $0xFFFFFFF0, v55  }
0x118: {  	v3 =	vor.u32 v3, v4  }
0x119: {  	v4 =	vperm.xlane v3, v0;
	_ =	sdelay $0x1  }
0x11a: {  	v3 =	vperm.xlane v3, v2;
	v4 =	vadd.s32 v1, v4;
	_ =	sdelay $0x1  }
0x11b: {  	v3 =	vadd.s32 v1, v3;
	_ =	sdelay $0x2  }
0x11c: {  	[tilespmem:s29], [sflag:$0x1] =	stream.indirect_vreg.gather [hbm4b:s3+s1], $0x80, v4, vm0, $0xb8;
	[tilespmem:$0x8080] =	vst v63  }
0x11d: {  	_ = 	snop  }
0x11e: {  	[tilespmem:s30], [sflag:$0x1] =	stream.indirect_vreg.gather [hbm4b:s3+s1], $0x80, v3, vm0, $0xb8;
	[tilespmem:$0x8080] =	vst v63  }
0x11f: {  	_ =	swait.ge [sflag:s31], $0x8000  }
0x120: {  	[sflag:s31] =	ssyncset.done $0x0  }
0x121: {  	[sflag:s31] =	ssyncadd.s32 $0xFFFF8000  }
0x122: {  	[hbm4b:s9+s1] =	stream.linear.scatter [tilespmem:s14], [sflag:$0x2], $0x8000, $0x38;
	[tilespmem:$0x8080] =	vst v63  }
0x123: {  	_ =	swait.ge [sflag:s13], $0x8000  }
0x124: {  	[sflag:s13] =	ssyncset.done $0x0  }
0x125: {  	[sflag:s13] =	ssyncadd.s32 $0xFFFF8000  }
0x126: {  	[tilespmem:s1], [sflag:$0x2] =	stream.linear.gather [hbm4b:s10+s1], $0x80, $0x38;
	[tilespmem:$0x8080] =	vst v63  }
0x127: {  	_ =	swait.ge [sflag:s13], $0x80  }
0x128: {  	[sflag:s13] =	ssyncset.done $0x0  }
0x129: {  	[sflag:s13] =	ssyncadd.s32 $0xFFFFFF80  }
0x12a: {  	v3 =	vld [tilespmem:$0x0];
	_ =	sdelay $0x4  }
0x12b: {  	v56 =	vshll.u32 v3, $0x1  }
0x12c: {  	v3 =	vand.u32 $0x7, v3;
	v4 =	vand.u32 $0xFFFFFFF0, v56  }
0x12d: {  	v3 =	vor.u32 v3, v4  }
0x12e: {  	v4 =	vperm.xlane v3, v0;
	_ =	sdelay $0x1  }
0x12f: {  	v3 =	vperm.xlane v3, v2;
	v4 =	vadd.s32 v1, v4;
	_ =	sdelay $0x1  }
0x130: {  	v3 =	vadd.s32 v1, v3;
	_ =	sdelay $0x2  }
0x131: {  	[tilespmem:s14], [sflag:$0x1] =	stream.indirect_vreg.gather [hbm4b:s3+s1], $0x80, v4, vm0, $0xb8;
	[tilespmem:$0x8080] =	vst v63  }
0x132: {  	_ = 	snop  }
0x133: {  	[tilespmem:s15], [sflag:$0x1] =	stream.indirect_vreg.gather [hbm4b:s3+s1], $0x80, v3, vm0, $0xb8;
	[tilespmem:$0x8080] =	vst v63  }
0x134: {  	v3 =	vld [tilespmem:$0x10];
	_ =	sdelay $0x4  }
0x135: {  	v57 =	vshll.u32 v3, $0x1  }
0x136: {  	v3 =	vand.u32 $0x7, v3;
	v4 =	vand.u32 $0xFFFFFFF0, v57  }
0x137: {  	v3 =	vor.u32 v3, v4  }
0x138: {  	v4 =	vperm.xlane v3, v0;
	_ =	sdelay $0x1  }
0x139: {  	v3 =	vperm.xlane v3, v2;
	v4 =	vadd.s32 v1, v4;
	_ =	sdelay $0x1  }
0x13a: {  	v3 =	vadd.s32 v1, v3;
	_ =	sdelay $0x2  }
0x13b: {  	[tilespmem:s16], [sflag:$0x1] =	stream.indirect_vreg.gather [hbm4b:s3+s1], $0x80, v4, vm0, $0xb8;
	[tilespmem:$0x8080] =	vst v63  }
0x13c: {  	_ = 	snop  }
0x13d: {  	[tilespmem:s17], [sflag:$0x1] =	stream.indirect_vreg.gather [hbm4b:s3+s1], $0x80, v3, vm0, $0xb8;
	[tilespmem:$0x8080] =	vst v63  }
0x13e: {  	v3 =	vld [tilespmem:$0x20];
	_ =	sdelay $0x4  }
0x13f: {  	v58 =	vshll.u32 v3, $0x1  }
0x140: {  	v3 =	vand.u32 $0x7, v3;
	v4 =	vand.u32 $0xFFFFFFF0, v58  }
0x141: {  	v3 =	vor.u32 v3, v4  }
0x142: {  	v4 =	vperm.xlane v3, v0;
	_ =	sdelay $0x1  }
0x143: {  	v3 =	vperm.xlane v3, v2;
	v4 =	vadd.s32 v1, v4;
	_ =	sdelay $0x1  }
0x144: {  	v3 =	vadd.s32 v1, v3;
	_ =	sdelay $0x2  }
0x145: {  	[tilespmem:s18], [sflag:$0x1] =	stream.indirect_vreg.gather [hbm4b:s3+s1], $0x80, v4, vm0, $0xb8;
	[tilespmem:$0x8080] =	vst v63  }
0x146: {  	_ = 	snop  }
0x147: {  	[tilespmem:s19], [sflag:$0x1] =	stream.indirect_vreg.gather [hbm4b:s3+s1], $0x80, v3, vm0, $0xb8;
	[tilespmem:$0x8080] =	vst v63  }
0x148: {  	v3 =	vld [tilespmem:$0x30];
	_ =	sdelay $0x4  }
0x149: {  	v59 =	vshll.u32 v3, $0x1  }
0x14a: {  	v3 =	vand.u32 $0x7, v3;
	v4 =	vand.u32 $0xFFFFFFF0, v59  }
0x14b: {  	v3 =	vor.u32 v3, v4  }
0x14c: {  	v4 =	vperm.xlane v3, v0;
	_ =	sdelay $0x1  }
0x14d: {  	v3 =	vperm.xlane v3, v2;
	v4 =	vadd.s32 v1, v4;
	_ =	sdelay $0x1  }
0x14e: {  	v3 =	vadd.s32 v1, v3;
	_ =	sdelay $0x2  }
0x14f: {  	[tilespmem:s20], [sflag:$0x1] =	stream.indirect_vreg.gather [hbm4b:s3+s1], $0x80, v4, vm0, $0xb8;
	[tilespmem:$0x8080] =	vst v63  }
0x150: {  	_ = 	snop  }
0x151: {  	[tilespmem:s21], [sflag:$0x1] =	stream.indirect_vreg.gather [hbm4b:s3+s1], $0x80, v3, vm0, $0xb8;
	[tilespmem:$0x8080] =	vst v63  }
0x152: {  	v3 =	vld [tilespmem:$0x40];
	_ =	sdelay $0x4  }
0x153: {  	v60 =	vshll.u32 v3, $0x1  }
0x154: {  	v3 =	vand.u32 $0x7, v3;
	v4 =	vand.u32 $0xFFFFFFF0, v60  }
0x155: {  	v3 =	vor.u32 v3, v4  }
0x156: {  	v4 =	vperm.xlane v3, v0;
	_ =	sdelay $0x1  }
0x157: {  	v3 =	vperm.xlane v3, v2;
	v4 =	vadd.s32 v1, v4;
	_ =	sdelay $0x1  }
0x158: {  	v3 =	vadd.s32 v1, v3;
	_ =	sdelay $0x2  }
0x159: {  	[tilespmem:s22], [sflag:$0x1] =	stream.indirect_vreg.gather [hbm4b:s3+s1], $0x80, v4, vm0, $0xb8;
	[tilespmem:$0x8080] =	vst v63  }
0x15a: {  	_ = 	snop  }
0x15b: {  	[tilespmem:s23], [sflag:$0x1] =	stream.indirect_vreg.gather [hbm4b:s3+s1], $0x80, v3, vm0, $0xb8;
	[tilespmem:$0x8080] =	vst v63  }
0x15c: {  	v3 =	vld [tilespmem:$0x50];
	_ =	sdelay $0x4  }
0x15d: {  	v61 =	vshll.u32 v3, $0x1  }
0x15e: {  	v3 =	vand.u32 $0x7, v3;
	v4 =	vand.u32 $0xFFFFFFF0, v61  }
0x15f: {  	v3 =	vor.u32 v3, v4  }
0x160: {  	v4 =	vperm.xlane v3, v0;
	_ =	sdelay $0x1  }
0x161: {  	v3 =	vperm.xlane v3, v2;
	v4 =	vadd.s32 v1, v4;
	_ =	sdelay $0x1  }
0x162: {  	v3 =	vadd.s32 v1, v3;
	_ =	sdelay $0x2  }
0x163: {  	[tilespmem:s24], [sflag:$0x1] =	stream.indirect_vreg.gather [hbm4b:s3+s1], $0x80, v4, vm0, $0xb8;
	[tilespmem:$0x8080] =	vst v63  }
0x164: {  	_ = 	snop  }
0x165: {  	[tilespmem:s25], [sflag:$0x1] =	stream.indirect_vreg.gather [hbm4b:s3+s1], $0x80, v3, vm0, $0xb8;
	[tilespmem:$0x8080] =	vst v63  }
0x166: {  	v3 =	vld [tilespmem:$0x60];
	_ =	sdelay $0x4  }
0x167: {  	v62 =	vshll.u32 v3, $0x1  }
0x168: {  	v3 =	vand.u32 $0x7, v3;
	v4 =	vand.u32 $0xFFFFFFF0, v62  }
0x169: {  	v3 =	vor.u32 v3, v4  }
0x16a: {  	v4 =	vperm.xlane v3, v0;
	_ =	sdelay $0x1  }
0x16b: {  	v3 =	vperm.xlane v3, v2;
	v4 =	vadd.s32 v1, v4;
	_ =	sdelay $0x1  }
0x16c: {  	v3 =	vadd.s32 v1, v3;
	_ =	sdelay $0x2  }
0x16d: {  	[tilespmem:s26], [sflag:$0x1] =	stream.indirect_vreg.gather [hbm4b:s3+s1], $0x80, v4, vm0, $0xb8;
	[tilespmem:$0x8080] =	vst v63  }
0x16e: {  	_ = 	snop  }
0x16f: {  	[tilespmem:s28], [sflag:$0x1] =	stream.indirect_vreg.gather [hbm4b:s3+s1], $0x80, v3, vm0, $0xb8;
	[tilespmem:$0x8080] =	vst v63  }
0x170: {  	v3 =	vld [tilespmem:$0x70];
	_ =	sdelay $0x4  }
0x171: {  	v63 =	vshll.u32 v3, $0x1  }
0x172: {  	v3 =	vand.u32 $0x7, v3;
	v4 =	vand.u32 $0xFFFFFFF0, v63  }
0x173: {  	v3 =	vor.u32 v3, v4  }
0x174: {  	v4 =	vperm.xlane v3, v0;
	_ =	sdelay $0x1  }
0x175: {  	v3 =	vperm.xlane v3, v2;
	v4 =	vadd.s32 v1, v4;
	_ =	sdelay $0x1  }
0x176: {  	v3 =	vadd.s32 v1, v3;
	_ =	sdelay $0x2  }
0x177: {  	[tilespmem:s29], [sflag:$0x1] =	stream.indirect_vreg.gather [hbm4b:s3+s1], $0x80, v4, vm0, $0xb8;
	[tilespmem:$0x8080] =	vst v63  }
0x178: {  	_ = 	snop  }
0x179: {  	[tilespmem:s30], [sflag:$0x1] =	stream.indirect_vreg.gather [hbm4b:s3+s1], $0x80, v3, vm0, $0xb8;
	[tilespmem:$0x8080] =	vst v63  }
0x17a: {  	_ =	swait.ge [sflag:s31], $0x8000  }
0x17b: {  	p0 =	sne.s32 s12, $0x1;
	[sflag:s31] =	ssyncset.done $0x0  }
.Ltmp0:
0x17c: {  	[sflag:s31] =	ssyncadd.s32 $0xFFFF8000;
	(pc) =	sbr.rel @p0 .LBB2_1-.Ltmp0, $4  }
0x17d: {  	[hbm4b:s11+s1] =	stream.linear.scatter [tilespmem:s14], [sflag:$0x2], $0x8000, $0x38;
	[tilespmem:$0x8080] =	vst v63  }
0x17e: {  	_ =	swait.ge [sflag:s13], $0x8000  }
0x17f: {  	[sflag:s13] =	ssyncset.done $0x0  }
0x180: {  	s12 =	sadd.s32 $0xFFFFFFFF, s12;
	[sflag:s13] =	ssyncadd.s32 $0xFFFF8000  }
0x181: {  	_ =	sfence.sel $0x180000  }
0x182: {  	[bflag:$0x0] =	sbarrier.arrive $0xFFFF  }
0x183: {  	p0 =	sne.s32 s2, $0x0;
	_ =	strace $0x90000047  }
0x184: {  	s0 =	sadd.s32 @!p0 $0x100000, s0;
	[bflag:$0x2] =	sbarrier.arrive $0xFFFF  }
0x185: {  	[sflag:s0] =	ssyncadd.tile.s32 @!p0 $0x1;
	_ =	shalt  }
.Lfunc_end2:
_tile_overlayer_lowered:
.L_overlay_start_2:
0x186: {  	(tag) =	ssettag $0x2  }
0x187: {  	s0 =	rddreg [dreg:$0x0];
	s2 =	stileid.u32  }
0x188: {  	s1 =	rddreg [dreg:$0x1];
	p0 =	sne.s32 s2, $0x0  }
0x189: {  	s3 =	rddreg [dreg:$0x2];
	[bflag:$0x3] =	sbarrier.arrive $0xFFFF;
	s2 =	simm.s32 @!p0 $0x1C02  }
0x18a: {  	[timem:s3], [sflag:s2] =	dma.local @!p0 [hbm:s0], s1  }
0x18b: {  	s0 =	simm.s32 @!p0 $0x2  }
0x18c: {  	_ =	swait.ge @!p0 [sflag:s0], s1  }
0x18d: {  	s1 =	ssub.s32 @!p0 $0x0, s1;
	[sflag:s0] =	ssyncset.done @!p0 $0x0  }
0x18e: {  	[sflag:s0] =	ssyncadd.s32 @!p0 s1  }
0x18f: {  	[bflag:$0x3] =	sbarrier.arrive $0xFFFF  }
0x190: {  	_ =	shalt  }

</sc_bundles>
